<compile_context>
chip_gen: v7x
topology: tpu7x:2x2x1
jax: 0.10.2.dev20260603
libtpu: 0.0.44.dev20260713+nightly
codegen_flags: <defaults>
</compile_context>

<pallas_src>
import functools

import jax
import jax.numpy as jnp
import numpy as np
from jax import lax
from jax.experimental import pallas as pl
from jax.experimental.pallas import tpu as pltpu
from jax.experimental.pallas import tpu_sc as plsc

HIDDEN = 128
POS_LEN = 512
POS_MAX = 600


def _pos_table(dim, length):
    enc = np.array(
        [pos / np.power(10000, 2 * i / dim) for pos in range(length) for i in range(dim)]
    )
    enc[::2] = np.sin(enc[::2])
    enc[1::2] = np.cos(enc[1::2])
    pe = enc.reshape([length, dim])
    return np.concatenate([np.zeros((1, dim)), pe], axis=0).astype(np.float32)


def _pe_extended():
    base = _pos_table(HIDDEN, POS_LEN)
    tail = np.repeat(base[-1:], POS_MAX - (POS_LEN + 1), axis=0)
    return np.concatenate([base, tail], axis=0)


_PE = _pe_extended()

_NUM_WORKERS = 32
_CHUNK = 128
_NBUF = 5
_AHEAD = _NBUF - 2


@functools.partial(jax.jit, static_argnames=("n_rows",))
def _embed_add(nodes_flat, pos_flat, W, *, n_rows):
    per_w = n_rows // _NUM_WORKERS
    n_chunks = per_w // _CHUNK
    nodes_2d = nodes_flat
    pos_2d = pos_flat
    pe = jnp.asarray(_PE)

    mesh = plsc.VectorSubcoreMesh(core_axis_name="c", subcore_axis_name="s")

    @functools.partial(
        pl.kernel,
        out_type=jax.ShapeDtypeStruct((n_rows, HIDDEN), jnp.float32),
        mesh=mesh,
        scratch_types=[
            pltpu.VMEM((_NBUF * _CHUNK,), jnp.int32),
            pltpu.VMEM((_NBUF * _CHUNK,), jnp.int32),
            pltpu.VMEM((_NBUF * _CHUNK, HIDDEN), jnp.float32),
            pltpu.VMEM_SHARED((POS_MAX, HIDDEN), jnp.float32),
            [pltpu.SemaphoreType.DMA] * _NBUF,
            [pltpu.SemaphoreType.DMA] * _NBUF,
            [pltpu.SemaphoreType.DMA] * _NBUF,
            [pltpu.SemaphoreType.DMA] * _NBUF,
            [pltpu.SemaphoreType.DMA] * _NBUF,
        ],
    )
    def emb(nodes_hbm, pos_hbm, w_hbm, pe_hbm, out_hbm, nidx, pidx, rows, pe_sh, sn, sp, gw, gp, so):
        wid = lax.axis_index("s") * 2 + lax.axis_index("c")
        crow0 = wid * n_chunks

        @pl.when(lax.axis_index("s") == 0)
        def _():
            pltpu.sync_copy(pe_hbm, pe_sh)

        plsc.subcore_barrier()

        def nslot(b):
            return nidx.at[pl.ds(b * _CHUNK, _CHUNK)]

        def pslot(b):
            return pidx.at[pl.ds(b * _CHUNK, _CHUNK)]

        def rbuf(b):
            return rows.at[pl.ds(b * _CHUNK, _CHUNK)]

        def hslot(ref, c):
            return ref.at[pl.ds((crow0 + c) * _CHUNK, _CHUNK)]

        def issue_idx(c, b):
            pltpu.async_copy(hslot(nodes_hbm, c), nslot(b), sn[b])
            pltpu.async_copy(hslot(pos_hbm, c), pslot(b), sp[b])

        def wait_idx(c, b):
            pltpu.make_async_copy(hslot(nodes_hbm, c), nslot(b), sn[b]).wait()
            pltpu.make_async_copy(hslot(pos_hbm, c), pslot(b), sp[b]).wait()

        def issue_gw(c, b):
            return pltpu.async_copy(w_hbm.at[nslot(b)], rbuf(b), gw[b])

        def issue_gp(c, b):
            return pltpu.async_copy(pe_sh.at[pslot(b)], rbuf(b), gp[b], add=True)

        def issue_out(c, b):
            return pltpu.async_copy(rbuf(b), out_hbm.at[pl.ds((crow0 + c) * _CHUNK, _CHUNK)], so[b])

        def wait_gw(c, b):
            pltpu.make_async_copy(w_hbm.at[nslot(b)], rbuf(b), gw[b]).wait()

        def wait_gp(c, b):
            pltpu.make_async_copy(pe_sh.at[pslot(b)], rbuf(b), gp[b]).wait()

        def wait_out(b):
            pltpu.make_async_copy(rbuf(b), out_hbm.at[pl.ds(0, _CHUNK)], so[b]).wait()

        for c in range(_AHEAD):
            pltpu.sync_copy(hslot(nodes_hbm, c), nslot(c))
            pltpu.sync_copy(hslot(pos_hbm, c), pslot(c))
        for c in range(_AHEAD, _NBUF):
            issue_idx(c, c % _NBUF)
        for c in range(_AHEAD):
            issue_gw(c, c)
        wait_gw(0, 0)
        issue_gp(0, 0)

        def body(g):
            for j in range(_NBUF):
                t = g + j
                b = j

                @pl.when(t + _AHEAD < n_chunks)
                def _():
                    ba = (j + _AHEAD) % _NBUF
                    wait_idx(t + _AHEAD, ba)

                    @pl.when(t + _AHEAD >= _NBUF)
                    def _():
                        wait_out(ba)

                    issue_gw(t + _AHEAD, ba)

                @pl.when(t + 1 < n_chunks)
                def _():
                    b1 = (j + 1) % _NBUF
                    wait_gw(t + 1, b1)
                    issue_gp(t + 1, b1)

                wait_gp(t, b)
                issue_out(t, b)

                @pl.when(t + _NBUF < n_chunks)
                def _():
                    issue_idx(t + _NBUF, b)

        pl.loop(0, n_chunks, step=_NBUF)(body)

        for b in range(_NBUF):
            wait_out(b)

    return emb(nodes_2d, pos_2d, W, pe)


def kernel(nodes, node_positions, W):
    B, T = nodes.shape
    n_rows = B * T
    nodes_flat = nodes.reshape(n_rows).astype(jnp.int32)
    pos_flat = node_positions.reshape(n_rows).astype(jnp.int32)
    out = _embed_add(nodes_flat, pos_flat, W, n_rows=n_rows)
    return out.reshape(B, T, HIDDEN)

# --- scband reference (transcript-rebuilt; emitter-appended) ---
"""Pipeline reference for scband-node-embedding-layer-10977936408824 (READ-ONLY COPY).

The authoritative reference and input builder live on the scoring server;
editing this copy changes nothing except your own understanding.
"""

import jax, jax.numpy as jnp
import numpy as np

HIDDEN = 128
VOCAB = 100000
POS_LEN = 512


def _build_pos_enc(dim, length):
    encoded_vec = np.array([pos / np.power(10000, 2 * i / dim) for pos in range(length) for i in range(dim)])
    encoded_vec[::2] = np.sin(encoded_vec[::2])
    encoded_vec[1::2] = np.cos(encoded_vec[1::2])
    pe = encoded_vec.reshape([length, dim])
    return np.concatenate([np.zeros((1, dim)), pe], axis=0).astype(np.float32)

# pos_enc is a non-trainable constant buffer, shape [POS_LEN+1, HIDDEN]
POS_ENC = jnp.asarray(_build_pos_enc(HIDDEN, POS_LEN))


def setup_inputs(seed: int = 0) -> dict:
    key = jax.random.key(seed)
    k1, k2, k3 = jax.random.split(key, 3)
    nodes = jax.random.randint(k1, (4096, 200), 0, VOCAB, dtype=jnp.int64 if jax.config.jax_enable_x64 else jnp.int32)
    node_positions = jax.random.randint(k2, (4096, 200), 0, 600, dtype=jnp.int64 if jax.config.jax_enable_x64 else jnp.int32)
    W = jax.random.normal(k3, (VOCAB, HIDDEN), dtype=jnp.float32)
    return {"nodes": nodes, "node_positions": node_positions, "W": W}


def reference(nodes, node_positions, W):
    # states = self.embed(nodes)
    states = jnp.take(W, nodes, axis=0)
    # clipped = tf.minimum(node_positions, len(self.pos_enc) - 1)
    clipped = jnp.minimum(node_positions, POS_ENC.shape[0] - 1)
    # states += tf.gather(self.pos_enc, clipped)
    states = states + jnp.take(POS_ENC, clipped, axis=0)
    return states

if __name__ == "__main__":
    import jax
    _d = setup_inputs()
    print(jax.jit(kernel)(*tuple(_d.values())))

</pallas_src>

<mosaic_0001>
#map = affine_map<(d0, d1) -> (0)>
#map1 = affine_map<(d0, d1) -> (0, 0)>
module attributes {stable_mosaic.version = 14 : i64} {
  func.func @emb(%arg0: i32, %arg1: i32, %arg2: memref<819200xi32, #tpu.memory_space<hbm>>, %arg3: memref<819200xi32, #tpu.memory_space<hbm>>, %arg4: memref<100000x128xf32, #tpu.memory_space<hbm>>, %arg5: memref<600x128xf32, #tpu.memory_space<hbm>>, %arg6: memref<819200x128xf32, #tpu.memory_space<hbm>>, %arg7: memref<640xi32, #tpu.memory_space<vmem>>, %arg8: memref<640xi32, #tpu.memory_space<vmem>>, %arg9: memref<640x128xf32, #tpu.memory_space<vmem>>, %arg10: memref<600x128xf32, #tpu.memory_space<vmem_shared>>, %arg11: memref<!tpu.dma_semaphore, #tpu.memory_space<semaphore_mem>>, %arg12: memref<!tpu.dma_semaphore, #tpu.memory_space<semaphore_mem>>, %arg13: memref<!tpu.dma_semaphore, #tpu.memory_space<semaphore_mem>>, %arg14: memref<!tpu.dma_semaphore, #tpu.memory_space<semaphore_mem>>, %arg15: memref<!tpu.dma_semaphore, #tpu.memory_space<semaphore_mem>>, %arg16: memref<!tpu.dma_semaphore, #tpu.memory_space<semaphore_mem>>, %arg17: memref<!tpu.dma_semaphore, #tpu.memory_space<semaphore_mem>>, %arg18: memref<!tpu.dma_semaphore, #tpu.memory_space<semaphore_mem>>, %arg19: memref<!tpu.dma_semaphore, #tpu.memory_space<semaphore_mem>>, %arg20: memref<!tpu.dma_semaphore, #tpu.memory_space<semaphore_mem>>, %arg21: memref<!tpu.dma_semaphore, #tpu.memory_space<semaphore_mem>>, %arg22: memref<!tpu.dma_semaphore, #tpu.memory_space<semaphore_mem>>, %arg23: memref<!tpu.dma_semaphore, #tpu.memory_space<semaphore_mem>>, %arg24: memref<!tpu.dma_semaphore, #tpu.memory_space<semaphore_mem>>, %arg25: memref<!tpu.dma_semaphore, #tpu.memory_space<semaphore_mem>>, %arg26: memref<!tpu.dma_semaphore, #tpu.memory_space<semaphore_mem>>, %arg27: memref<!tpu.dma_semaphore, #tpu.memory_space<semaphore_mem>>, %arg28: memref<!tpu.dma_semaphore, #tpu.memory_space<semaphore_mem>>, %arg29: memref<!tpu.dma_semaphore, #tpu.memory_space<semaphore_mem>>, %arg30: memref<!tpu.dma_semaphore, #tpu.memory_space<semaphore_mem>>, %arg31: memref<!tpu.dma_semaphore, #tpu.memory_space<semaphore_mem>>, %arg32: memref<!tpu.dma_semaphore, #tpu.memory_space<semaphore_mem>>, %arg33: memref<!tpu.dma_semaphore, #tpu.memory_space<semaphore_mem>>, %arg34: memref<!tpu.dma_semaphore, #tpu.memory_space<semaphore_mem>>, %arg35: memref<!tpu.dma_semaphore, #tpu.memory_space<semaphore_mem>>) attributes {dimension_semantics = [#tpu.dimension_semantics<core_parallel>, #tpu.dimension_semantics<subcore_parallel>], iteration_bounds = array<i64: 2, 16>, scalar_prefetch = 0 : i64, scratch_operands = 29 : i64, tpu.core_type = #tpu.core_type<sc_vector_subcore>, window_params = [{transform_indices = #map}, {transform_indices = #map}, {transform_indices = #map1}, {transform_indices = #map1}, {transform_indices = #map1}]} {
    %mul3A = arith.constant 2 : i32
    %mul3A_0 = arith.muli %arg1, %mul3A : i32
    %add3A = arith.addi %mul3A_0, %arg0 : i32
    %mul3A_1 = arith.constant 200 : i32
    %mul3A_2 = arith.muli %add3A, %mul3A_1 : i32
    %eq3A = arith.constant 0 : i32
    %eq3A_3 = arith.cmpi eq, %arg1, %eq3A : i32
    %convert_element_type3A = arith.extui %eq3A_3 : i1 to i32
    %cond3A = arith.constant 0 : i32
    %cond3A_4 = arith.cmpi ne, %convert_element_type3A, %cond3A : i32
    scf.if %cond3A_4 {
      "tpu.region"() ({
        %run_scoped3A = tpu.sem_alloc : memref<!tpu.dma_semaphore, #tpu.memory_space<semaphore_mem>>
        tpu.enqueue_dma source(%arg5 : memref<600x128xf32, #tpu.memory_space<hbm>>) target(%arg10 : memref<600x128xf32, #tpu.memory_space<vmem_shared>>) target_semaphore(%run_scoped3A : memref<!tpu.dma_semaphore, #tpu.memory_space<semaphore_mem>>)
        tpu.wait_dma2 semaphore(%run_scoped3A : memref<!tpu.dma_semaphore, #tpu.memory_space<semaphore_mem>>) src(%arg5 : memref<600x128xf32, #tpu.memory_space<hbm>>) dst(%arg10 : memref<600x128xf32, #tpu.memory_space<vmem_shared>>)
        tpu.yield
      }) : () -> ()
    } else {
    }
    %barrier3A = arith.constant 0 : index
    tpu.barrier barrier_id(%barrier3A)
    %add3A_5 = arith.constant 0 : i32
    %add3A_6 = arith.addi %mul3A_2, %add3A_5 : i32
    %mul3A_7 = arith.constant 128 : i32
    %mul3A_8 = arith.muli %add3A_6, %mul3A_7 : i32
    "tpu.region"() ({
      %run_scoped3A = tpu.sem_alloc : memref<!tpu.dma_semaphore, #tpu.memory_space<semaphore_mem>>
      %dma_start3A_171 = arith.constant 0 : i32
      %dma_start3A_172 = tpu.memref_slice %arg7[%dma_start3A_171] : memref<640xi32, #tpu.memory_space<vmem>> -> memref<128xi32, #tpu.memory_space<vmem>>
      %dma_start3A_173 = tpu.memref_slice %arg2[%mul3A_8] : memref<819200xi32, #tpu.memory_space<hbm>> -> memref<128xi32, #tpu.memory_space<hbm>>
      %dma_start3A_174 = arith.constant 0 : i32
      %dma_start3A_175 = tpu.memref_slice %arg7[%dma_start3A_174] : memref<640xi32, #tpu.memory_space<vmem>> -> memref<128xi32, #tpu.memory_space<vmem>>
      %dma_start3A_176 = tpu.memref_slice %arg2[%mul3A_8] : memref<819200xi32, #tpu.memory_space<hbm>> -> memref<128xi32, #tpu.memory_space<hbm>>
      tpu.enqueue_dma source(%dma_start3A_176 : memref<128xi32, #tpu.memory_space<hbm>>) target(%dma_start3A_175 : memref<128xi32, #tpu.memory_space<vmem>>) target_semaphore(%run_scoped3A : memref<!tpu.dma_semaphore, #tpu.memory_space<semaphore_mem>>)
      %dma_wait3A_177 = arith.constant 0 : i32
      %dma_wait3A_178 = tpu.memref_slice %arg7[%dma_wait3A_177] : memref<640xi32, #tpu.memory_space<vmem>> -> memref<128xi32, #tpu.memory_space<vmem>>
      %dma_wait3A_179 = tpu.memref_slice %arg2[%mul3A_8] : memref<819200xi32, #tpu.memory_space<hbm>> -> memref<128xi32, #tpu.memory_space<hbm>>
      %dma_wait3A_180 = arith.constant 0 : i32
      %dma_wait3A_181 = tpu.memref_slice %arg7[%dma_wait3A_180] : memref<640xi32, #tpu.memory_space<vmem>> -> memref<128xi32, #tpu.memory_space<vmem>>
      %dma_wait3A_182 = tpu.memref_slice %arg2[%mul3A_8] : memref<819200xi32, #tpu.memory_space<hbm>> -> memref<128xi32, #tpu.memory_space<hbm>>
      tpu.wait_dma2 semaphore(%run_scoped3A : memref<!tpu.dma_semaphore, #tpu.memory_space<semaphore_mem>>) src(%dma_wait3A_182 : memref<128xi32, #tpu.memory_space<hbm>>) dst(%dma_wait3A_181 : memref<128xi32, #tpu.memory_space<vmem>>)
      tpu.yield
    }) : () -> ()
    %add3A_9 = arith.constant 0 : i32
    %add3A_10 = arith.addi %mul3A_2, %add3A_9 : i32
    %mul3A_11 = arith.constant 128 : i32
    %mul3A_12 = arith.muli %add3A_10, %mul3A_11 : i32
    "tpu.region"() ({
      %run_scoped3A = tpu.sem_alloc : memref<!tpu.dma_semaphore, #tpu.memory_space<semaphore_mem>>
      %dma_start3A_171 = arith.constant 0 : i32
      %dma_start3A_172 = tpu.memref_slice %arg8[%dma_start3A_171] : memref<640xi32, #tpu.memory_space<vmem>> -> memref<128xi32, #tpu.memory_space<vmem>>
      %dma_start3A_173 = tpu.memref_slice %arg3[%mul3A_12] : memref<819200xi32, #tpu.memory_space<hbm>> -> memref<128xi32, #tpu.memory_space<hbm>>
      %dma_start3A_174 = arith.constant 0 : i32
      %dma_start3A_175 = tpu.memref_slice %arg8[%dma_start3A_174] : memref<640xi32, #tpu.memory_space<vmem>> -> memref<128xi32, #tpu.memory_space<vmem>>
      %dma_start3A_176 = tpu.memref_slice %arg3[%mul3A_12] : memref<819200xi32, #tpu.memory_space<hbm>> -> memref<128xi32, #tpu.memory_space<hbm>>
      tpu.enqueue_dma source(%dma_start3A_176 : memref<128xi32, #tpu.memory_space<hbm>>) target(%dma_start3A_175 : memref<128xi32, #tpu.memory_space<vmem>>) target_semaphore(%run_scoped3A : memref<!tpu.dma_semaphore, #tpu.memory_space<semaphore_mem>>)
      %dma_wait3A_177 = arith.constant 0 : i32
      %dma_wait3A_178 = tpu.memref_slice %arg8[%dma_wait3A_177] : memref<640xi32, #tpu.memory_space<vmem>> -> memref<128xi32, #tpu.memory_space<vmem>>
      %dma_wait3A_179 = tpu.memref_slice %arg3[%mul3A_12] : memref<819200xi32, #tpu.memory_space<hbm>> -> memref<128xi32, #tpu.memory_space<hbm>>
      %dma_wait3A_180 = arith.constant 0 : i32
      %dma_wait3A_181 = tpu.memref_slice %arg8[%dma_wait3A_180] : memref<640xi32, #tpu.memory_space<vmem>> -> memref<128xi32, #tpu.memory_space<vmem>>
      %dma_wait3A_182 = tpu.memref_slice %arg3[%mul3A_12] : memref<819200xi32, #tpu.memory_space<hbm>> -> memref<128xi32, #tpu.memory_space<hbm>>
      tpu.wait_dma2 semaphore(%run_scoped3A : memref<!tpu.dma_semaphore, #tpu.memory_space<semaphore_mem>>) src(%dma_wait3A_182 : memref<128xi32, #tpu.memory_space<hbm>>) dst(%dma_wait3A_181 : memref<128xi32, #tpu.memory_space<vmem>>)
      tpu.yield
    }) : () -> ()
    %add3A_13 = arith.constant 1 : i32
    %add3A_14 = arith.addi %mul3A_2, %add3A_13 : i32
    %mul3A_15 = arith.constant 128 : i32
    %mul3A_16 = arith.muli %add3A_14, %mul3A_15 : i32
    "tpu.region"() ({
      %run_scoped3A = tpu.sem_alloc : memref<!tpu.dma_semaphore, #tpu.memory_space<semaphore_mem>>
      %dma_start3A_171 = arith.constant 128 : i32
      %dma_start3A_172 = tpu.memref_slice %arg7[%dma_start3A_171] : memref<640xi32, #tpu.memory_space<vmem>> -> memref<128xi32, #tpu.memory_space<vmem>>
      %dma_start3A_173 = tpu.memref_slice %arg2[%mul3A_16] : memref<819200xi32, #tpu.memory_space<hbm>> -> memref<128xi32, #tpu.memory_space<hbm>>
      %dma_start3A_174 = arith.constant 128 : i32
      %dma_start3A_175 = tpu.memref_slice %arg7[%dma_start3A_174] : memref<640xi32, #tpu.memory_space<vmem>> -> memref<128xi32, #tpu.memory_space<vmem>>
      %dma_start3A_176 = tpu.memref_slice %arg2[%mul3A_16] : memref<819200xi32, #tpu.memory_space<hbm>> -> memref<128xi32, #tpu.memory_space<hbm>>
      tpu.enqueue_dma source(%dma_start3A_176 : memref<128xi32, #tpu.memory_space<hbm>>) target(%dma_start3A_175 : memref<128xi32, #tpu.memory_space<vmem>>) target_semaphore(%run_scoped3A : memref<!tpu.dma_semaphore, #tpu.memory_space<semaphore_mem>>)
      %dma_wait3A_177 = arith.constant 128 : i32
      %dma_wait3A_178 = tpu.memref_slice %arg7[%dma_wait3A_177] : memref<640xi32, #tpu.memory_space<vmem>> -> memref<128xi32, #tpu.memory_space<vmem>>
      %dma_wait3A_179 = tpu.memref_slice %arg2[%mul3A_16] : memref<819200xi32, #tpu.memory_space<hbm>> -> memref<128xi32, #tpu.memory_space<hbm>>
      %dma_wait3A_180 = arith.constant 128 : i32
      %dma_wait3A_181 = tpu.memref_slice %arg7[%dma_wait3A_180] : memref<640xi32, #tpu.memory_space<vmem>> -> memref<128xi32, #tpu.memory_space<vmem>>
      %dma_wait3A_182 = tpu.memref_slice %arg2[%mul3A_16] : memref<819200xi32, #tpu.memory_space<hbm>> -> memref<128xi32, #tpu.memory_space<hbm>>
      tpu.wait_dma2 semaphore(%run_scoped3A : memref<!tpu.dma_semaphore, #tpu.memory_space<semaphore_mem>>) src(%dma_wait3A_182 : memref<128xi32, #tpu.memory_space<hbm>>) dst(%dma_wait3A_181 : memref<128xi32, #tpu.memory_space<vmem>>)
      tpu.yield
    }) : () -> ()
    %add3A_17 = arith.constant 1 : i32
    %add3A_18 = arith.addi %mul3A_2, %add3A_17 : i32
    %mul3A_19 = arith.constant 128 : i32
    %mul3A_20 = arith.muli %add3A_18, %mul3A_19 : i32
    "tpu.region"() ({
      %run_scoped3A = tpu.sem_alloc : memref<!tpu.dma_semaphore, #tpu.memory_space<semaphore_mem>>
      %dma_start3A_171 = arith.constant 128 : i32
      %dma_start3A_172 = tpu.memref_slice %arg8[%dma_start3A_171] : memref<640xi32, #tpu.memory_space<vmem>> -> memref<128xi32, #tpu.memory_space<vmem>>
      %dma_start3A_173 = tpu.memref_slice %arg3[%mul3A_20] : memref<819200xi32, #tpu.memory_space<hbm>> -> memref<128xi32, #tpu.memory_space<hbm>>
      %dma_start3A_174 = arith.constant 128 : i32
      %dma_start3A_175 = tpu.memref_slice %arg8[%dma_start3A_174] : memref<640xi32, #tpu.memory_space<vmem>> -> memref<128xi32, #tpu.memory_space<vmem>>
      %dma_start3A_176 = tpu.memref_slice %arg3[%mul3A_20] : memref<819200xi32, #tpu.memory_space<hbm>> -> memref<128xi32, #tpu.memory_space<hbm>>
      tpu.enqueue_dma source(%dma_start3A_176 : memref<128xi32, #tpu.memory_space<hbm>>) target(%dma_start3A_175 : memref<128xi32, #tpu.memory_space<vmem>>) target_semaphore(%run_scoped3A : memref<!tpu.dma_semaphore, #tpu.memory_space<semaphore_mem>>)
      %dma_wait3A_177 = arith.constant 128 : i32
      %dma_wait3A_178 = tpu.memref_slice %arg8[%dma_wait3A_177] : memref<640xi32, #tpu.memory_space<vmem>> -> memref<128xi32, #tpu.memory_space<vmem>>
      %dma_wait3A_179 = tpu.memref_slice %arg3[%mul3A_20] : memref<819200xi32, #tpu.memory_space<hbm>> -> memref<128xi32, #tpu.memory_space<hbm>>
      %dma_wait3A_180 = arith.constant 128 : i32
      %dma_wait3A_181 = tpu.memref_slice %arg8[%dma_wait3A_180] : memref<640xi32, #tpu.memory_space<vmem>> -> memref<128xi32, #tpu.memory_space<vmem>>
      %dma_wait3A_182 = tpu.memref_slice %arg3[%mul3A_20] : memref<819200xi32, #tpu.memory_space<hbm>> -> memref<128xi32, #tpu.memory_space<hbm>>
      tpu.wait_dma2 semaphore(%run_scoped3A : memref<!tpu.dma_semaphore, #tpu.memory_space<semaphore_mem>>) src(%dma_wait3A_182 : memref<128xi32, #tpu.memory_space<hbm>>) dst(%dma_wait3A_181 : memref<128xi32, #tpu.memory_space<vmem>>)
      tpu.yield
    }) : () -> ()
    %add3A_21 = arith.constant 2 : i32
    %add3A_22 = arith.addi %mul3A_2, %add3A_21 : i32
    %mul3A_23 = arith.constant 128 : i32
    %mul3A_24 = arith.muli %add3A_22, %mul3A_23 : i32
    "tpu.region"() ({
      %run_scoped3A = tpu.sem_alloc : memref<!tpu.dma_semaphore, #tpu.memory_space<semaphore_mem>>
      %dma_start3A_171 = arith.constant 256 : i32
      %dma_start3A_172 = tpu.memref_slice %arg7[%dma_start3A_171] : memref<640xi32, #tpu.memory_space<vmem>> -> memref<128xi32, #tpu.memory_space<vmem>>
      %dma_start3A_173 = tpu.memref_slice %arg2[%mul3A_24] : memref<819200xi32, #tpu.memory_space<hbm>> -> memref<128xi32, #tpu.memory_space<hbm>>
      %dma_start3A_174 = arith.constant 256 : i32
      %dma_start3A_175 = tpu.memref_slice %arg7[%dma_start3A_174] : memref<640xi32, #tpu.memory_space<vmem>> -> memref<128xi32, #tpu.memory_space<vmem>>
      %dma_start3A_176 = tpu.memref_slice %arg2[%mul3A_24] : memref<819200xi32, #tpu.memory_space<hbm>> -> memref<128xi32, #tpu.memory_space<hbm>>
      tpu.enqueue_dma source(%dma_start3A_176 : memref<128xi32, #tpu.memory_space<hbm>>) target(%dma_start3A_175 : memref<128xi32, #tpu.memory_space<vmem>>) target_semaphore(%run_scoped3A : memref<!tpu.dma_semaphore, #tpu.memory_space<semaphore_mem>>)
      %dma_wait3A_177 = arith.constant 256 : i32
      %dma_wait3A_178 = tpu.memref_slice %arg7[%dma_wait3A_177] : memref<640xi32, #tpu.memory_space<vmem>> -> memref<128xi32, #tpu.memory_space<vmem>>
      %dma_wait3A_179 = tpu.memref_slice %arg2[%mul3A_24] : memref<819200xi32, #tpu.memory_space<hbm>> -> memref<128xi32, #tpu.memory_space<hbm>>
      %dma_wait3A_180 = arith.constant 256 : i32
      %dma_wait3A_181 = tpu.memref_slice %arg7[%dma_wait3A_180] : memref<640xi32, #tpu.memory_space<vmem>> -> memref<128xi32, #tpu.memory_space<vmem>>
      %dma_wait3A_182 = tpu.memref_slice %arg2[%mul3A_24] : memref<819200xi32, #tpu.memory_space<hbm>> -> memref<128xi32, #tpu.memory_space<hbm>>
      tpu.wait_dma2 semaphore(%run_scoped3A : memref<!tpu.dma_semaphore, #tpu.memory_space<semaphore_mem>>) src(%dma_wait3A_182 : memref<128xi32, #tpu.memory_space<hbm>>) dst(%dma_wait3A_181 : memref<128xi32, #tpu.memory_space<vmem>>)
      tpu.yield
    }) : () -> ()
    %add3A_25 = arith.constant 2 : i32
    %add3A_26 = arith.addi %mul3A_2, %add3A_25 : i32
    %mul3A_27 = arith.constant 128 : i32
    %mul3A_28 = arith.muli %add3A_26, %mul3A_27 : i32
    "tpu.region"() ({
      %run_scoped3A = tpu.sem_alloc : memref<!tpu.dma_semaphore, #tpu.memory_space<semaphore_mem>>
      %dma_start3A_171 = arith.constant 256 : i32
      %dma_start3A_172 = tpu.memref_slice %arg8[%dma_start3A_171] : memref<640xi32, #tpu.memory_space<vmem>> -> memref<128xi32, #tpu.memory_space<vmem>>
      %dma_start3A_173 = tpu.memref_slice %arg3[%mul3A_28] : memref<819200xi32, #tpu.memory_space<hbm>> -> memref<128xi32, #tpu.memory_space<hbm>>
      %dma_start3A_174 = arith.constant 256 : i32
      %dma_start3A_175 = tpu.memref_slice %arg8[%dma_start3A_174] : memref<640xi32, #tpu.memory_space<vmem>> -> memref<128xi32, #tpu.memory_space<vmem>>
      %dma_start3A_176 = tpu.memref_slice %arg3[%mul3A_28] : memref<819200xi32, #tpu.memory_space<hbm>> -> memref<128xi32, #tpu.memory_space<hbm>>
      tpu.enqueue_dma source(%dma_start3A_176 : memref<128xi32, #tpu.memory_space<hbm>>) target(%dma_start3A_175 : memref<128xi32, #tpu.memory_space<vmem>>) target_semaphore(%run_scoped3A : memref<!tpu.dma_semaphore, #tpu.memory_space<semaphore_mem>>)
      %dma_wait3A_177 = arith.constant 256 : i32
      %dma_wait3A_178 = tpu.memref_slice %arg8[%dma_wait3A_177] : memref<640xi32, #tpu.memory_space<vmem>> -> memref<128xi32, #tpu.memory_space<vmem>>
      %dma_wait3A_179 = tpu.memref_slice %arg3[%mul3A_28] : memref<819200xi32, #tpu.memory_space<hbm>> -> memref<128xi32, #tpu.memory_space<hbm>>
      %dma_wait3A_180 = arith.constant 256 : i32
      %dma_wait3A_181 = tpu.memref_slice %arg8[%dma_wait3A_180] : memref<640xi32, #tpu.memory_space<vmem>> -> memref<128xi32, #tpu.memory_space<vmem>>
      %dma_wait3A_182 = tpu.memref_slice %arg3[%mul3A_28] : memref<819200xi32, #tpu.memory_space<hbm>> -> memref<128xi32, #tpu.memory_space<hbm>>
      tpu.wait_dma2 semaphore(%run_scoped3A : memref<!tpu.dma_semaphore, #tpu.memory_space<semaphore_mem>>) src(%dma_wait3A_182 : memref<128xi32, #tpu.memory_space<hbm>>) dst(%dma_wait3A_181 : memref<128xi32, #tpu.memory_space<vmem>>)
      tpu.yield
    }) : () -> ()
    %add3A_29 = arith.constant 3 : i32
    %add3A_30 = arith.addi %mul3A_2, %add3A_29 : i32
    %mul3A_31 = arith.constant 128 : i32
    %mul3A_32 = arith.muli %add3A_30, %mul3A_31 : i32
    %dma_start3A = arith.constant 384 : i32
    %dma_start3A_33 = tpu.memref_slice %arg7[%dma_start3A] : memref<640xi32, #tpu.memory_space<vmem>> -> memref<128xi32, #tpu.memory_space<vmem>>
    %dma_start3A_34 = tpu.memref_slice %arg2[%mul3A_32] : memref<819200xi32, #tpu.memory_space<hbm>> -> memref<128xi32, #tpu.memory_space<hbm>>
    %dma_start3A_35 = arith.constant 384 : i32
    %dma_start3A_36 = tpu.memref_slice %arg7[%dma_start3A_35] : memref<640xi32, #tpu.memory_space<vmem>> -> memref<128xi32, #tpu.memory_space<vmem>>
    %dma_start3A_37 = tpu.memref_slice %arg2[%mul3A_32] : memref<819200xi32, #tpu.memory_space<hbm>> -> memref<128xi32, #tpu.memory_space<hbm>>
    tpu.enqueue_dma source(%dma_start3A_37 : memref<128xi32, #tpu.memory_space<hbm>>) target(%dma_start3A_36 : memref<128xi32, #tpu.memory_space<vmem>>) target_semaphore(%arg14 : memref<!tpu.dma_semaphore, #tpu.memory_space<semaphore_mem>>)
    %add3A_38 = arith.constant 3 : i32
    %add3A_39 = arith.addi %mul3A_2, %add3A_38 : i32
    %mul3A_40 = arith.constant 128 : i32
    %mul3A_41 = arith.muli %add3A_39, %mul3A_40 : i32
    %dma_start3A_42 = arith.constant 384 : i32
    %dma_start3A_43 = tpu.memref_slice %arg8[%dma_start3A_42] : memref<640xi32, #tpu.memory_space<vmem>> -> memref<128xi32, #tpu.memory_space<vmem>>
    %dma_start3A_44 = tpu.memref_slice %arg3[%mul3A_41] : memref<819200xi32, #tpu.memory_space<hbm>> -> memref<128xi32, #tpu.memory_space<hbm>>
    %dma_start3A_45 = arith.constant 384 : i32
    %dma_start3A_46 = tpu.memref_slice %arg8[%dma_start3A_45] : memref<640xi32, #tpu.memory_space<vmem>> -> memref<128xi32, #tpu.memory_space<vmem>>
    %dma_start3A_47 = tpu.memref_slice %arg3[%mul3A_41] : memref<819200xi32, #tpu.memory_space<hbm>> -> memref<128xi32, #tpu.memory_space<hbm>>
    tpu.enqueue_dma source(%dma_start3A_47 : memref<128xi32, #tpu.memory_space<hbm>>) target(%dma_start3A_46 : memref<128xi32, #tpu.memory_space<vmem>>) target_semaphore(%arg19 : memref<!tpu.dma_semaphore, #tpu.memory_space<semaphore_mem>>)
    %add3A_48 = arith.constant 4 : i32
    %add3A_49 = arith.addi %mul3A_2, %add3A_48 : i32
    %mul3A_50 = arith.constant 128 : i32
    %mul3A_51 = arith.muli %add3A_49, %mul3A_50 : i32
    %dma_start3A_52 = arith.constant 512 : i32
    %dma_start3A_53 = tpu.memref_slice %arg7[%dma_start3A_52] : memref<640xi32, #tpu.memory_space<vmem>> -> memref<128xi32, #tpu.memory_space<vmem>>
    %dma_start3A_54 = tpu.memref_slice %arg2[%mul3A_51] : memref<819200xi32, #tpu.memory_space<hbm>> -> memref<128xi32, #tpu.memory_space<hbm>>
    %dma_start3A_55 = arith.constant 512 : i32
    %dma_start3A_56 = tpu.memref_slice %arg7[%dma_start3A_55] : memref<640xi32, #tpu.memory_space<vmem>> -> memref<128xi32, #tpu.memory_space<vmem>>
    %dma_start3A_57 = tpu.memref_slice %arg2[%mul3A_51] : memref<819200xi32, #tpu.memory_space<hbm>> -> memref<128xi32, #tpu.memory_space<hbm>>
    tpu.enqueue_dma source(%dma_start3A_57 : memref<128xi32, #tpu.memory_space<hbm>>) target(%dma_start3A_56 : memref<128xi32, #tpu.memory_space<vmem>>) target_semaphore(%arg15 : memref<!tpu.dma_semaphore, #tpu.memory_space<semaphore_mem>>)
    %add3A_58 = arith.constant 4 : i32
    %add3A_59 = arith.addi %mul3A_2, %add3A_58 : i32
    %mul3A_60 = arith.constant 128 : i32
    %mul3A_61 = arith.muli %add3A_59, %mul3A_60 : i32
    %dma_start3A_62 = arith.constant 512 : i32
    %dma_start3A_63 = tpu.memref_slice %arg8[%dma_start3A_62] : memref<640xi32, #tpu.memory_space<vmem>> -> memref<128xi32, #tpu.memory_space<vmem>>
    %dma_start3A_64 = tpu.memref_slice %arg3[%mul3A_61] : memref<819200xi32, #tpu.memory_space<hbm>> -> memref<128xi32, #tpu.memory_space<hbm>>
    %dma_start3A_65 = arith.constant 512 : i32
    %dma_start3A_66 = tpu.memref_slice %arg8[%dma_start3A_65] : memref<640xi32, #tpu.memory_space<vmem>> -> memref<128xi32, #tpu.memory_space<vmem>>
    %dma_start3A_67 = tpu.memref_slice %arg3[%mul3A_61] : memref<819200xi32, #tpu.memory_space<hbm>> -> memref<128xi32, #tpu.memory_space<hbm>>
    tpu.enqueue_dma source(%dma_start3A_67 : memref<128xi32, #tpu.memory_space<hbm>>) target(%dma_start3A_66 : memref<128xi32, #tpu.memory_space<vmem>>) target_semaphore(%arg20 : memref<!tpu.dma_semaphore, #tpu.memory_space<semaphore_mem>>)
    %dma_start3A_68 = arith.constant 0 : i32
    %dma_start3A_69 = arith.constant 0 : i32
    %dma_start3A_70 = tpu.memref_slice %arg9[%dma_start3A_68, %dma_start3A_69] : memref<640x128xf32, #tpu.memory_space<vmem>> -> memref<128x128xf32, #tpu.memory_space<vmem>>
    %dma_start3A_71 = arith.constant 0 : i32
    %dma_start3A_72 = tpu.memref_slice %arg7[%dma_start3A_71] : memref<640xi32, #tpu.memory_space<vmem>> -> memref<128xi32, #tpu.memory_space<vmem>>
    %dma_start3A_73 = arith.constant 0 : i32
    %dma_start3A_74 = arith.constant 0 : i32
    %dma_start3A_75 = tpu.memref_slice %arg4[%dma_start3A_73, %dma_start3A_74] : memref<100000x128xf32, #tpu.memory_space<hbm>> -> memref<100000x128xf32, #tpu.memory_space<hbm>>
    tpu.enqueue_indirect_dma source(%dma_start3A_75 : memref<100000x128xf32, #tpu.memory_space<hbm>>) target(%dma_start3A_70 : memref<128x128xf32, #tpu.memory_space<vmem>>) offsets(%dma_start3A_72 : memref<128xi32, #tpu.memory_space<vmem>>) semaphore(%arg21 : memref<!tpu.dma_semaphore, #tpu.memory_space<semaphore_mem>>)
    %dma_start3A_76 = arith.constant 128 : i32
    %dma_start3A_77 = arith.constant 0 : i32
    %dma_start3A_78 = tpu.memref_slice %arg9[%dma_start3A_76, %dma_start3A_77] : memref<640x128xf32, #tpu.memory_space<vmem>> -> memref<128x128xf32, #tpu.memory_space<vmem>>
    %dma_start3A_79 = arith.constant 128 : i32
    %dma_start3A_80 = tpu.memref_slice %arg7[%dma_start3A_79] : memref<640xi32, #tpu.memory_space<vmem>> -> memref<128xi32, #tpu.memory_space<vmem>>
    %dma_start3A_81 = arith.constant 0 : i32
    %dma_start3A_82 = arith.constant 0 : i32
    %dma_start3A_83 = tpu.memref_slice %arg4[%dma_start3A_81, %dma_start3A_82] : memref<100000x128xf32, #tpu.memory_space<hbm>> -> memref<100000x128xf32, #tpu.memory_space<hbm>>
    tpu.enqueue_indirect_dma source(%dma_start3A_83 : memref<100000x128xf32, #tpu.memory_space<hbm>>) target(%dma_start3A_78 : memref<128x128xf32, #tpu.memory_space<vmem>>) offsets(%dma_start3A_80 : memref<128xi32, #tpu.memory_space<vmem>>) semaphore(%arg22 : memref<!tpu.dma_semaphore, #tpu.memory_space<semaphore_mem>>)
    %dma_start3A_84 = arith.constant 256 : i32
    %dma_start3A_85 = arith.constant 0 : i32
    %dma_start3A_86 = tpu.memref_slice %arg9[%dma_start3A_84, %dma_start3A_85] : memref<640x128xf32, #tpu.memory_space<vmem>> -> memref<128x128xf32, #tpu.memory_space<vmem>>
    %dma_start3A_87 = arith.constant 256 : i32
    %dma_start3A_88 = tpu.memref_slice %arg7[%dma_start3A_87] : memref<640xi32, #tpu.memory_space<vmem>> -> memref<128xi32, #tpu.memory_space<vmem>>
    %dma_start3A_89 = arith.constant 0 : i32
    %dma_start3A_90 = arith.constant 0 : i32
    %dma_start3A_91 = tpu.memref_slice %arg4[%dma_start3A_89, %dma_start3A_90] : memref<100000x128xf32, #tpu.memory_space<hbm>> -> memref<100000x128xf32, #tpu.memory_space<hbm>>
    tpu.enqueue_indirect_dma source(%dma_start3A_91 : memref<100000x128xf32, #tpu.memory_space<hbm>>) target(%dma_start3A_86 : memref<128x128xf32, #tpu.memory_space<vmem>>) offsets(%dma_start3A_88 : memref<128xi32, #tpu.memory_space<vmem>>) semaphore(%arg23 : memref<!tpu.dma_semaphore, #tpu.memory_space<semaphore_mem>>)
    %dma_wait3A = arith.constant 0 : i32
    %dma_wait3A_92 = arith.constant 0 : i32
    %dma_wait3A_93 = tpu.memref_slice %arg9[%dma_wait3A, %dma_wait3A_92] : memref<640x128xf32, #tpu.memory_space<vmem>> -> memref<128x128xf32, #tpu.memory_space<vmem>>
    %dma_wait3A_94 = arith.constant 0 : i32
    %dma_wait3A_95 = tpu.memref_slice %arg7[%dma_wait3A_94] : memref<640xi32, #tpu.memory_space<vmem>> -> memref<128xi32, #tpu.memory_space<vmem>>
    %dma_wait3A_96 = arith.constant 0 : i32
    %dma_wait3A_97 = arith.constant 0 : i32
    %dma_wait3A_98 = tpu.memref_slice %arg4[%dma_wait3A_96, %dma_wait3A_97] : memref<100000x128xf32, #tpu.memory_space<hbm>> -> memref<100000x128xf32, #tpu.memory_space<hbm>>
    tpu.wait_indirect_dma semaphore(%arg21 : memref<!tpu.dma_semaphore, #tpu.memory_space<semaphore_mem>>) src(%dma_wait3A_98 : memref<100000x128xf32, #tpu.memory_space<hbm>>) dst(%dma_wait3A_93 : memref<128x128xf32, #tpu.memory_space<vmem>>)
    %dma_start3A_99 = arith.constant 0 : i32
    %dma_start3A_100 = arith.constant 0 : i32
    %dma_start3A_101 = tpu.memref_slice %arg9[%dma_start3A_99, %dma_start3A_100] : memref<640x128xf32, #tpu.memory_space<vmem>> -> memref<128x128xf32, #tpu.memory_space<vmem>>
    %dma_start3A_102 = arith.constant 0 : i32
    %dma_start3A_103 = tpu.memref_slice %arg8[%dma_start3A_102] : memref<640xi32, #tpu.memory_space<vmem>> -> memref<128xi32, #tpu.memory_space<vmem>>
    %dma_start3A_104 = arith.constant 0 : i32
    %dma_start3A_105 = arith.constant 0 : i32
    %dma_start3A_106 = tpu.memref_slice %arg10[%dma_start3A_104, %dma_start3A_105] : memref<600x128xf32, #tpu.memory_space<vmem_shared>> -> memref<600x128xf32, #tpu.memory_space<vmem_shared>>
    tpu.enqueue_indirect_dma source(%dma_start3A_106 : memref<600x128xf32, #tpu.memory_space<vmem_shared>>) target(%dma_start3A_101 : memref<128x128xf32, #tpu.memory_space<vmem>>) offsets(%dma_start3A_103 : memref<128xi32, #tpu.memory_space<vmem>>) semaphore(%arg26 : memref<!tpu.dma_semaphore, #tpu.memory_space<semaphore_mem>>) {add = true}
    %scan3A = arith.constant 0 : i32
    %scan3A_107 = arith.constant 40 : i32
    %scan3A_108 = arith.addi %scan3A, %scan3A_107 : i32
    %scan3A_109 = arith.constant 1 : i32
    scf.for %scan3A_171 = %scan3A to %scan3A_108 step %scan3A_109  : i32 {
      %mul3A_172 = arith.constant 5 : i32
      %mul3A_173 = arith.muli %scan3A_171, %mul3A_172 : i32
      %add3A_174 = arith.constant 0 : i32
      %add3A_175 = arith.addi %add3A_174, %mul3A_173 : i32
      %add3A_176 = arith.constant 0 : i32
      %add3A_177 = arith.addi %add3A_175, %add3A_176 : i32
      %add3A_178 = arith.constant 3 : i32
      %add3A_179 = arith.addi %add3A_177, %add3A_178 : i32
      %lt3A = arith.constant 200 : i32
      %lt3A_180 = arith.cmpi slt, %add3A_179, %lt3A : i32
      %convert_element_type3A_181 = arith.extui %lt3A_180 : i1 to i32
      %cond3A_182 = arith.constant 0 : i32
      %cond3A_183 = arith.cmpi ne, %convert_element_type3A_181, %cond3A_182 : i32
      scf.if %cond3A_183 {
        %add3A_395 = arith.constant 3 : i32
        %add3A_396 = arith.addi %add3A_177, %add3A_395 : i32
        %add3A_397 = arith.addi %mul3A_2, %add3A_396 : i32
        %mul3A_398 = arith.constant 128 : i32
        %mul3A_399 = arith.muli %add3A_397, %mul3A_398 : i32
        %dma_wait3A_400 = arith.constant 384 : i32
        %dma_wait3A_401 = tpu.memref_slice %arg7[%dma_wait3A_400] : memref<640xi32, #tpu.memory_space<vmem>> -> memref<128xi32, #tpu.memory_space<vmem>>
        %dma_wait3A_402 = tpu.memref_slice %arg2[%mul3A_399] : memref<819200xi32, #tpu.memory_space<hbm>> -> memref<128xi32, #tpu.memory_space<hbm>>
        %dma_wait3A_403 = arith.constant 384 : i32
        %dma_wait3A_404 = tpu.memref_slice %arg7[%dma_wait3A_403] : memref<640xi32, #tpu.memory_space<vmem>> -> memref<128xi32, #tpu.memory_space<vmem>>
        %dma_wait3A_405 = tpu.memref_slice %arg2[%mul3A_399] : memref<819200xi32, #tpu.memory_space<hbm>> -> memref<128xi32, #tpu.memory_space<hbm>>
        tpu.wait_dma2 semaphore(%arg14 : memref<!tpu.dma_semaphore, #tpu.memory_space<semaphore_mem>>) src(%dma_wait3A_405 : memref<128xi32, #tpu.memory_space<hbm>>) dst(%dma_wait3A_404 : memref<128xi32, #tpu.memory_space<vmem>>)
        %add3A_406 = arith.addi %mul3A_2, %add3A_396 : i32
        %mul3A_407 = arith.constant 128 : i32
        %mul3A_408 = arith.muli %add3A_406, %mul3A_407 : i32
        %dma_wait3A_409 = arith.constant 384 : i32
        %dma_wait3A_410 = tpu.memref_slice %arg8[%dma_wait3A_409] : memref<640xi32, #tpu.memory_space<vmem>> -> memref<128xi32, #tpu.memory_space<vmem>>
        %dma_wait3A_411 = tpu.memref_slice %arg3[%mul3A_408] : memref<819200xi32, #tpu.memory_space<hbm>> -> memref<128xi32, #tpu.memory_space<hbm>>
        %dma_wait3A_412 = arith.constant 384 : i32
        %dma_wait3A_413 = tpu.memref_slice %arg8[%dma_wait3A_412] : memref<640xi32, #tpu.memory_space<vmem>> -> memref<128xi32, #tpu.memory_space<vmem>>
        %dma_wait3A_414 = tpu.memref_slice %arg3[%mul3A_408] : memref<819200xi32, #tpu.memory_space<hbm>> -> memref<128xi32, #tpu.memory_space<hbm>>
        tpu.wait_dma2 semaphore(%arg19 : memref<!tpu.dma_semaphore, #tpu.memory_space<semaphore_mem>>) src(%dma_wait3A_414 : memref<128xi32, #tpu.memory_space<hbm>>) dst(%dma_wait3A_413 : memref<128xi32, #tpu.memory_space<vmem>>)
        %add3A_415 = arith.constant 3 : i32
        %add3A_416 = arith.addi %add3A_177, %add3A_415 : i32
        %ge3A = arith.constant 5 : i32
        %ge3A_417 = arith.cmpi sge, %add3A_416, %ge3A : i32
        %convert_element_type3A_418 = arith.extui %ge3A_417 : i1 to i32
        %cond3A_419 = arith.constant 0 : i32
        %cond3A_420 = arith.cmpi ne, %convert_element_type3A_418, %cond3A_419 : i32
        scf.if %cond3A_420 {
          %dma_wait3A_431 = arith.constant 384 : i32
          %dma_wait3A_432 = arith.constant 0 : i32
          %dma_wait3A_433 = tpu.memref_slice %arg9[%dma_wait3A_431, %dma_wait3A_432] : memref<640x128xf32, #tpu.memory_space<vmem>> -> memref<128x128xf32, #tpu.memory_space<vmem>>
          %dma_wait3A_434 = arith.constant 0 : i32
          %dma_wait3A_435 = arith.constant 0 : i32
          %dma_wait3A_436 = tpu.memref_slice %arg6[%dma_wait3A_434, %dma_wait3A_435] : memref<819200x128xf32, #tpu.memory_space<hbm>> -> memref<128x128xf32, #tpu.memory_space<hbm>>
          %dma_wait3A_437 = arith.constant 0 : i32
          %dma_wait3A_438 = arith.constant 0 : i32
          %dma_wait3A_439 = tpu.memref_slice %arg6[%dma_wait3A_437, %dma_wait3A_438] : memref<819200x128xf32, #tpu.memory_space<hbm>> -> memref<128x128xf32, #tpu.memory_space<hbm>>
          %dma_wait3A_440 = arith.constant 384 : i32
          %dma_wait3A_441 = arith.constant 0 : i32
          %dma_wait3A_442 = tpu.memref_slice %arg9[%dma_wait3A_440, %dma_wait3A_441] : memref<640x128xf32, #tpu.memory_space<vmem>> -> memref<128x128xf32, #tpu.memory_space<vmem>>
          tpu.wait_dma2 semaphore(%arg34 : memref<!tpu.dma_semaphore, #tpu.memory_space<semaphore_mem>>) src(%dma_wait3A_442 : memref<128x128xf32, #tpu.memory_space<vmem>>) dst(%dma_wait3A_439 : memref<128x128xf32, #tpu.memory_space<hbm>>)
        } else {
        }
        %add3A_421 = arith.constant 3 : i32
        %add3A_422 = arith.addi %add3A_177, %add3A_421 : i32
        %dma_start3A_423 = arith.constant 384 : i32
        %dma_start3A_424 = arith.constant 0 : i32
        %dma_start3A_425 = tpu.memref_slice %arg9[%dma_start3A_423, %dma_start3A_424] : memref<640x128xf32, #tpu.memory_space<vmem>> -> memref<128x128xf32, #tpu.memory_space<vmem>>
        %dma_start3A_426 = arith.constant 384 : i32
        %dma_start3A_427 = tpu.memref_slice %arg7[%dma_start3A_426] : memref<640xi32, #tpu.memory_space<vmem>> -> memref<128xi32, #tpu.memory_space<vmem>>
        %dma_start3A_428 = arith.constant 0 : i32
        %dma_start3A_429 = arith.constant 0 : i32
        %dma_start3A_430 = tpu.memref_slice %arg4[%dma_start3A_428, %dma_start3A_429] : memref<100000x128xf32, #tpu.memory_space<hbm>> -> memref<100000x128xf32, #tpu.memory_space<hbm>>
        tpu.enqueue_indirect_dma source(%dma_start3A_430 : memref<100000x128xf32, #tpu.memory_space<hbm>>) target(%dma_start3A_425 : memref<128x128xf32, #tpu.memory_space<vmem>>) offsets(%dma_start3A_427 : memref<128xi32, #tpu.memory_space<vmem>>) semaphore(%arg24 : memref<!tpu.dma_semaphore, #tpu.memory_space<semaphore_mem>>)
      } else {
      }
      %add3A_184 = arith.constant 1 : i32
      %add3A_185 = arith.addi %add3A_177, %add3A_184 : i32
      %lt3A_186 = arith.constant 200 : i32
      %lt3A_187 = arith.cmpi slt, %add3A_185, %lt3A_186 : i32
      %convert_element_type3A_188 = arith.extui %lt3A_187 : i1 to i32
      %cond3A_189 = arith.constant 0 : i32
      %cond3A_190 = arith.cmpi ne, %convert_element_type3A_188, %cond3A_189 : i32
      scf.if %cond3A_190 {
        %add3A_395 = arith.constant 1 : i32
        %add3A_396 = arith.addi %add3A_177, %add3A_395 : i32
        %dma_wait3A_397 = arith.constant 128 : i32
        %dma_wait3A_398 = arith.constant 0 : i32
        %dma_wait3A_399 = tpu.memref_slice %arg9[%dma_wait3A_397, %dma_wait3A_398] : memref<640x128xf32, #tpu.memory_space<vmem>> -> memref<128x128xf32, #tpu.memory_space<vmem>>
        %dma_wait3A_400 = arith.constant 128 : i32
        %dma_wait3A_401 = tpu.memref_slice %arg7[%dma_wait3A_400] : memref<640xi32, #tpu.memory_space<vmem>> -> memref<128xi32, #tpu.memory_space<vmem>>
        %dma_wait3A_402 = arith.constant 0 : i32
        %dma_wait3A_403 = arith.constant 0 : i32
        %dma_wait3A_404 = tpu.memref_slice %arg4[%dma_wait3A_402, %dma_wait3A_403] : memref<100000x128xf32, #tpu.memory_space<hbm>> -> memref<100000x128xf32, #tpu.memory_space<hbm>>
        tpu.wait_indirect_dma semaphore(%arg22 : memref<!tpu.dma_semaphore, #tpu.memory_space<semaphore_mem>>) src(%dma_wait3A_404 : memref<100000x128xf32, #tpu.memory_space<hbm>>) dst(%dma_wait3A_399 : memref<128x128xf32, #tpu.memory_space<vmem>>)
        %add3A_405 = arith.constant 1 : i32
        %add3A_406 = arith.addi %add3A_177, %add3A_405 : i32
        %dma_start3A_407 = arith.constant 128 : i32
        %dma_start3A_408 = arith.constant 0 : i32
        %dma_start3A_409 = tpu.memref_slice %arg9[%dma_start3A_407, %dma_start3A_408] : memref<640x128xf32, #tpu.memory_space<vmem>> -> memref<128x128xf32, #tpu.memory_space<vmem>>
        %dma_start3A_410 = arith.constant 128 : i32
        %dma_start3A_411 = tpu.memref_slice %arg8[%dma_start3A_410] : memref<640xi32, #tpu.memory_space<vmem>> -> memref<128xi32, #tpu.memory_space<vmem>>
        %dma_start3A_412 = arith.constant 0 : i32
        %dma_start3A_413 = arith.constant 0 : i32
        %dma_start3A_414 = tpu.memref_slice %arg10[%dma_start3A_412, %dma_start3A_413] : memref<600x128xf32, #tpu.memory_space<vmem_shared>> -> memref<600x128xf32, #tpu.memory_space<vmem_shared>>
        tpu.enqueue_indirect_dma source(%dma_start3A_414 : memref<600x128xf32, #tpu.memory_space<vmem_shared>>) target(%dma_start3A_409 : memref<128x128xf32, #tpu.memory_space<vmem>>) offsets(%dma_start3A_411 : memref<128xi32, #tpu.memory_space<vmem>>) semaphore(%arg27 : memref<!tpu.dma_semaphore, #tpu.memory_space<semaphore_mem>>) {add = true}
      } else {
      }
      %dma_wait3A_191 = arith.constant 0 : i32
      %dma_wait3A_192 = arith.constant 0 : i32
      %dma_wait3A_193 = tpu.memref_slice %arg9[%dma_wait3A_191, %dma_wait3A_192] : memref<640x128xf32, #tpu.memory_space<vmem>> -> memref<128x128xf32, #tpu.memory_space<vmem>>
      %dma_wait3A_194 = arith.constant 0 : i32
      %dma_wait3A_195 = tpu.memref_slice %arg8[%dma_wait3A_194] : memref<640xi32, #tpu.memory_space<vmem>> -> memref<128xi32, #tpu.memory_space<vmem>>
      %dma_wait3A_196 = arith.constant 0 : i32
      %dma_wait3A_197 = arith.constant 0 : i32
      %dma_wait3A_198 = tpu.memref_slice %arg10[%dma_wait3A_196, %dma_wait3A_197] : memref<600x128xf32, #tpu.memory_space<vmem_shared>> -> memref<600x128xf32, #tpu.memory_space<vmem_shared>>
      tpu.wait_indirect_dma semaphore(%arg26 : memref<!tpu.dma_semaphore, #tpu.memory_space<semaphore_mem>>) src(%dma_wait3A_198 : memref<600x128xf32, #tpu.memory_space<vmem_shared>>) dst(%dma_wait3A_193 : memref<128x128xf32, #tpu.memory_space<vmem>>)
      %add3A_199 = arith.addi %mul3A_2, %add3A_177 : i32
      %mul3A_200 = arith.constant 128 : i32
      %mul3A_201 = arith.muli %add3A_199, %mul3A_200 : i32
      %dma_start3A_202 = arith.constant 0 : i32
      %dma_start3A_203 = arith.constant 0 : i32
      %dma_start3A_204 = tpu.memref_slice %arg9[%dma_start3A_202, %dma_start3A_203] : memref<640x128xf32, #tpu.memory_space<vmem>> -> memref<128x128xf32, #tpu.memory_space<vmem>>
      %dma_start3A_205 = arith.constant 0 : i32
      %dma_start3A_206 = tpu.memref_slice %arg6[%mul3A_201, %dma_start3A_205] : memref<819200x128xf32, #tpu.memory_space<hbm>> -> memref<128x128xf32, #tpu.memory_space<hbm>>
      %dma_start3A_207 = arith.constant 0 : i32
      %dma_start3A_208 = tpu.memref_slice %arg6[%mul3A_201, %dma_start3A_207] : memref<819200x128xf32, #tpu.memory_space<hbm>> -> memref<128x128xf32, #tpu.memory_space<hbm>>
      %dma_start3A_209 = arith.constant 0 : i32
      %dma_start3A_210 = arith.constant 0 : i32
      %dma_start3A_211 = tpu.memref_slice %arg9[%dma_start3A_209, %dma_start3A_210] : memref<640x128xf32, #tpu.memory_space<vmem>> -> memref<128x128xf32, #tpu.memory_space<vmem>>
      tpu.enqueue_dma source(%dma_start3A_211 : memref<128x128xf32, #tpu.memory_space<vmem>>) target(%dma_start3A_208 : memref<128x128xf32, #tpu.memory_space<hbm>>) target_semaphore(%arg31 : memref<!tpu.dma_semaphore, #tpu.memory_space<semaphore_mem>>)
      %add3A_212 = arith.constant 5 : i32
      %add3A_213 = arith.addi %add3A_177, %add3A_212 : i32
      %lt3A_214 = arith.constant 200 : i32
      %lt3A_215 = arith.cmpi slt, %add3A_213, %lt3A_214 : i32
      %convert_element_type3A_216 = arith.extui %lt3A_215 : i1 to i32
      %cond3A_217 = arith.constant 0 : i32
      %cond3A_218 = arith.cmpi ne, %convert_element_type3A_216, %cond3A_217 : i32
      scf.if %cond3A_218 {
        %add3A_395 = arith.constant 5 : i32
        %add3A_396 = arith.addi %add3A_177, %add3A_395 : i32
        %add3A_397 = arith.addi %mul3A_2, %add3A_396 : i32
        %mul3A_398 = arith.constant 128 : i32
        %mul3A_399 = arith.muli %add3A_397, %mul3A_398 : i32
        %dma_start3A_400 = arith.constant 0 : i32
        %dma_start3A_401 = tpu.memref_slice %arg7[%dma_start3A_400] : memref<640xi32, #tpu.memory_space<vmem>> -> memref<128xi32, #tpu.memory_space<vmem>>
        %dma_start3A_402 = tpu.memref_slice %arg2[%mul3A_399] : memref<819200xi32, #tpu.memory_space<hbm>> -> memref<128xi32, #tpu.memory_space<hbm>>
        %dma_start3A_403 = arith.constant 0 : i32
        %dma_start3A_404 = tpu.memref_slice %arg7[%dma_start3A_403] : memref<640xi32, #tpu.memory_space<vmem>> -> memref<128xi32, #tpu.memory_space<vmem>>
        %dma_start3A_405 = tpu.memref_slice %arg2[%mul3A_399] : memref<819200xi32, #tpu.memory_space<hbm>> -> memref<128xi32, #tpu.memory_space<hbm>>
        tpu.enqueue_dma source(%dma_start3A_405 : memref<128xi32, #tpu.memory_space<hbm>>) target(%dma_start3A_404 : memref<128xi32, #tpu.memory_space<vmem>>) target_semaphore(%arg11 : memref<!tpu.dma_semaphore, #tpu.memory_space<semaphore_mem>>)
        %add3A_406 = arith.addi %mul3A_2, %add3A_396 : i32
        %mul3A_407 = arith.constant 128 : i32
        %mul3A_408 = arith.muli %add3A_406, %mul3A_407 : i32
        %dma_start3A_409 = arith.constant 0 : i32
        %dma_start3A_410 = tpu.memref_slice %arg8[%dma_start3A_409] : memref<640xi32, #tpu.memory_space<vmem>> -> memref<128xi32, #tpu.memory_space<vmem>>
        %dma_start3A_411 = tpu.memref_slice %arg3[%mul3A_408] : memref<819200xi32, #tpu.memory_space<hbm>> -> memref<128xi32, #tpu.memory_space<hbm>>
        %dma_start3A_412 = arith.constant 0 : i32
        %dma_start3A_413 = tpu.memref_slice %arg8[%dma_start3A_412] : memref<640xi32, #tpu.memory_space<vmem>> -> memref<128xi32, #tpu.memory_space<vmem>>
        %dma_start3A_414 = tpu.memref_slice %arg3[%mul3A_408] : memref<819200xi32, #tpu.memory_space<hbm>> -> memref<128xi32, #tpu.memory_space<hbm>>
        tpu.enqueue_dma source(%dma_start3A_414 : memref<128xi32, #tpu.memory_space<hbm>>) target(%dma_start3A_413 : memref<128xi32, #tpu.memory_space<vmem>>) target_semaphore(%arg16 : memref<!tpu.dma_semaphore, #tpu.memory_space<semaphore_mem>>)
      } else {
      }
      %add3A_219 = arith.constant 1 : i32
      %add3A_220 = arith.addi %add3A_175, %add3A_219 : i32
      %add3A_221 = arith.constant 3 : i32
      %add3A_222 = arith.addi %add3A_220, %add3A_221 : i32
      %lt3A_223 = arith.constant 200 : i32
      %lt3A_224 = arith.cmpi slt, %add3A_222, %lt3A_223 : i32
      %convert_element_type3A_225 = arith.extui %lt3A_224 : i1 to i32
      %cond3A_226 = arith.constant 0 : i32
      %cond3A_227 = arith.cmpi ne, %convert_element_type3A_225, %cond3A_226 : i32
      scf.if %cond3A_227 {
        %add3A_395 = arith.constant 3 : i32
        %add3A_396 = arith.addi %add3A_220, %add3A_395 : i32
        %add3A_397 = arith.addi %mul3A_2, %add3A_396 : i32
        %mul3A_398 = arith.constant 128 : i32
        %mul3A_399 = arith.muli %add3A_397, %mul3A_398 : i32
        %dma_wait3A_400 = arith.constant 512 : i32
        %dma_wait3A_401 = tpu.memref_slice %arg7[%dma_wait3A_400] : memref<640xi32, #tpu.memory_space<vmem>> -> memref<128xi32, #tpu.memory_space<vmem>>
        %dma_wait3A_402 = tpu.memref_slice %arg2[%mul3A_399] : memref<819200xi32, #tpu.memory_space<hbm>> -> memref<128xi32, #tpu.memory_space<hbm>>
        %dma_wait3A_403 = arith.constant 512 : i32
        %dma_wait3A_404 = tpu.memref_slice %arg7[%dma_wait3A_403] : memref<640xi32, #tpu.memory_space<vmem>> -> memref<128xi32, #tpu.memory_space<vmem>>
        %dma_wait3A_405 = tpu.memref_slice %arg2[%mul3A_399] : memref<819200xi32, #tpu.memory_space<hbm>> -> memref<128xi32, #tpu.memory_space<hbm>>
        tpu.wait_dma2 semaphore(%arg15 : memref<!tpu.dma_semaphore, #tpu.memory_space<semaphore_mem>>) src(%dma_wait3A_405 : memref<128xi32, #tpu.memory_space<hbm>>) dst(%dma_wait3A_404 : memref<128xi32, #tpu.memory_space<vmem>>)
        %add3A_406 = arith.addi %mul3A_2, %add3A_396 : i32
        %mul3A_407 = arith.constant 128 : i32
        %mul3A_408 = arith.muli %add3A_406, %mul3A_407 : i32
        %dma_wait3A_409 = arith.constant 512 : i32
        %dma_wait3A_410 = tpu.memref_slice %arg8[%dma_wait3A_409] : memref<640xi32, #tpu.memory_space<vmem>> -> memref<128xi32, #tpu.memory_space<vmem>>
        %dma_wait3A_411 = tpu.memref_slice %arg3[%mul3A_408] : memref<819200xi32, #tpu.memory_space<hbm>> -> memref<128xi32, #tpu.memory_space<hbm>>
        %dma_wait3A_412 = arith.constant 512 : i32
        %dma_wait3A_413 = tpu.memref_slice %arg8[%dma_wait3A_412] : memref<640xi32, #tpu.memory_space<vmem>> -> memref<128xi32, #tpu.memory_space<vmem>>
        %dma_wait3A_414 = tpu.memref_slice %arg3[%mul3A_408] : memref<819200xi32, #tpu.memory_space<hbm>> -> memref<128xi32, #tpu.memory_space<hbm>>
        tpu.wait_dma2 semaphore(%arg20 : memref<!tpu.dma_semaphore, #tpu.memory_space<semaphore_mem>>) src(%dma_wait3A_414 : memref<128xi32, #tpu.memory_space<hbm>>) dst(%dma_wait3A_413 : memref<128xi32, #tpu.memory_space<vmem>>)
        %add3A_415 = arith.constant 3 : i32
        %add3A_416 = arith.addi %add3A_220, %add3A_415 : i32
        %ge3A = arith.constant 5 : i32
        %ge3A_417 = arith.cmpi sge, %add3A_416, %ge3A : i32
        %convert_element_type3A_418 = arith.extui %ge3A_417 : i1 to i32
        %cond3A_419 = arith.constant 0 : i32
        %cond3A_420 = arith.cmpi ne, %convert_element_type3A_418, %cond3A_419 : i32
        scf.if %cond3A_420 {
          %dma_wait3A_431 = arith.constant 512 : i32
          %dma_wait3A_432 = arith.constant 0 : i32
          %dma_wait3A_433 = tpu.memref_slice %arg9[%dma_wait3A_431, %dma_wait3A_432] : memref<640x128xf32, #tpu.memory_space<vmem>> -> memref<128x128xf32, #tpu.memory_space<vmem>>
          %dma_wait3A_434 = arith.constant 0 : i32
          %dma_wait3A_435 = arith.constant 0 : i32
          %dma_wait3A_436 = tpu.memref_slice %arg6[%dma_wait3A_434, %dma_wait3A_435] : memref<819200x128xf32, #tpu.memory_space<hbm>> -> memref<128x128xf32, #tpu.memory_space<hbm>>
          %dma_wait3A_437 = arith.constant 0 : i32
          %dma_wait3A_438 = arith.constant 0 : i32
          %dma_wait3A_439 = tpu.memref_slice %arg6[%dma_wait3A_437, %dma_wait3A_438] : memref<819200x128xf32, #tpu.memory_space<hbm>> -> memref<128x128xf32, #tpu.memory_space<hbm>>
          %dma_wait3A_440 = arith.constant 512 : i32
          %dma_wait3A_441 = arith.constant 0 : i32
          %dma_wait3A_442 = tpu.memref_slice %arg9[%dma_wait3A_440, %dma_wait3A_441] : memref<640x128xf32, #tpu.memory_space<vmem>> -> memref<128x128xf32, #tpu.memory_space<vmem>>
          tpu.wait_dma2 semaphore(%arg35 : memref<!tpu.dma_semaphore, #tpu.memory_space<semaphore_mem>>) src(%dma_wait3A_442 : memref<128x128xf32, #tpu.memory_space<vmem>>) dst(%dma_wait3A_439 : memref<128x128xf32, #tpu.memory_space<hbm>>)
        } else {
        }
        %add3A_421 = arith.constant 3 : i32
        %add3A_422 = arith.addi %add3A_220, %add3A_421 : i32
        %dma_start3A_423 = arith.constant 512 : i32
        %dma_start3A_424 = arith.constant 0 : i32
        %dma_start3A_425 = tpu.memref_slice %arg9[%dma_start3A_423, %dma_start3A_424] : memref<640x128xf32, #tpu.memory_space<vmem>> -> memref<128x128xf32, #tpu.memory_space<vmem>>
        %dma_start3A_426 = arith.constant 512 : i32
        %dma_start3A_427 = tpu.memref_slice %arg7[%dma_start3A_426] : memref<640xi32, #tpu.memory_space<vmem>> -> memref<128xi32, #tpu.memory_space<vmem>>
        %dma_start3A_428 = arith.constant 0 : i32
        %dma_start3A_429 = arith.constant 0 : i32
        %dma_start3A_430 = tpu.memref_slice %arg4[%dma_start3A_428, %dma_start3A_429] : memref<100000x128xf32, #tpu.memory_space<hbm>> -> memref<100000x128xf32, #tpu.memory_space<hbm>>
        tpu.enqueue_indirect_dma source(%dma_start3A_430 : memref<100000x128xf32, #tpu.memory_space<hbm>>) target(%dma_start3A_425 : memref<128x128xf32, #tpu.memory_space<vmem>>) offsets(%dma_start3A_427 : memref<128xi32, #tpu.memory_space<vmem>>) semaphore(%arg25 : memref<!tpu.dma_semaphore, #tpu.memory_space<semaphore_mem>>)
      } else {
      }
      %add3A_228 = arith.constant 1 : i32
      %add3A_229 = arith.addi %add3A_220, %add3A_228 : i32
      %lt3A_230 = arith.constant 200 : i32
      %lt3A_231 = arith.cmpi slt, %add3A_229, %lt3A_230 : i32
      %convert_element_type3A_232 = arith.extui %lt3A_231 : i1 to i32
      %cond3A_233 = arith.constant 0 : i32
      %cond3A_234 = arith.cmpi ne, %convert_element_type3A_232, %cond3A_233 : i32
      scf.if %cond3A_234 {
        %add3A_395 = arith.constant 1 : i32
        %add3A_396 = arith.addi %add3A_220, %add3A_395 : i32
        %dma_wait3A_397 = arith.constant 256 : i32
        %dma_wait3A_398 = arith.constant 0 : i32
        %dma_wait3A_399 = tpu.memref_slice %arg9[%dma_wait3A_397, %dma_wait3A_398] : memref<640x128xf32, #tpu.memory_space<vmem>> -> memref<128x128xf32, #tpu.memory_space<vmem>>
        %dma_wait3A_400 = arith.constant 256 : i32
        %dma_wait3A_401 = tpu.memref_slice %arg7[%dma_wait3A_400] : memref<640xi32, #tpu.memory_space<vmem>> -> memref<128xi32, #tpu.memory_space<vmem>>
        %dma_wait3A_402 = arith.constant 0 : i32
        %dma_wait3A_403 = arith.constant 0 : i32
        %dma_wait3A_404 = tpu.memref_slice %arg4[%dma_wait3A_402, %dma_wait3A_403] : memref<100000x128xf32, #tpu.memory_space<hbm>> -> memref<100000x128xf32, #tpu.memory_space<hbm>>
        tpu.wait_indirect_dma semaphore(%arg23 : memref<!tpu.dma_semaphore, #tpu.memory_space<semaphore_mem>>) src(%dma_wait3A_404 : memref<100000x128xf32, #tpu.memory_space<hbm>>) dst(%dma_wait3A_399 : memref<128x128xf32, #tpu.memory_space<vmem>>)
        %add3A_405 = arith.constant 1 : i32
        %add3A_406 = arith.addi %add3A_220, %add3A_405 : i32
        %dma_start3A_407 = arith.constant 256 : i32
        %dma_start3A_408 = arith.constant 0 : i32
        %dma_start3A_409 = tpu.memref_slice %arg9[%dma_start3A_407, %dma_start3A_408] : memref<640x128xf32, #tpu.memory_space<vmem>> -> memref<128x128xf32, #tpu.memory_space<vmem>>
        %dma_start3A_410 = arith.constant 256 : i32
        %dma_start3A_411 = tpu.memref_slice %arg8[%dma_start3A_410] : memref<640xi32, #tpu.memory_space<vmem>> -> memref<128xi32, #tpu.memory_space<vmem>>
        %dma_start3A_412 = arith.constant 0 : i32
        %dma_start3A_413 = arith.constant 0 : i32
        %dma_start3A_414 = tpu.memref_slice %arg10[%dma_start3A_412, %dma_start3A_413] : memref<600x128xf32, #tpu.memory_space<vmem_shared>> -> memref<600x128xf32, #tpu.memory_space<vmem_shared>>
        tpu.enqueue_indirect_dma source(%dma_start3A_414 : memref<600x128xf32, #tpu.memory_space<vmem_shared>>) target(%dma_start3A_409 : memref<128x128xf32, #tpu.memory_space<vmem>>) offsets(%dma_start3A_411 : memref<128xi32, #tpu.memory_space<vmem>>) semaphore(%arg28 : memref<!tpu.dma_semaphore, #tpu.memory_space<semaphore_mem>>) {add = true}
      } else {
      }
      %dma_wait3A_235 = arith.constant 128 : i32
      %dma_wait3A_236 = arith.constant 0 : i32
      %dma_wait3A_237 = tpu.memref_slice %arg9[%dma_wait3A_235, %dma_wait3A_236] : memref<640x128xf32, #tpu.memory_space<vmem>> -> memref<128x128xf32, #tpu.memory_space<vmem>>
      %dma_wait3A_238 = arith.constant 128 : i32
      %dma_wait3A_239 = tpu.memref_slice %arg8[%dma_wait3A_238] : memref<640xi32, #tpu.memory_space<vmem>> -> memref<128xi32, #tpu.memory_space<vmem>>
      %dma_wait3A_240 = arith.constant 0 : i32
      %dma_wait3A_241 = arith.constant 0 : i32
      %dma_wait3A_242 = tpu.memref_slice %arg10[%dma_wait3A_240, %dma_wait3A_241] : memref<600x128xf32, #tpu.memory_space<vmem_shared>> -> memref<600x128xf32, #tpu.memory_space<vmem_shared>>
      tpu.wait_indirect_dma semaphore(%arg27 : memref<!tpu.dma_semaphore, #tpu.memory_space<semaphore_mem>>) src(%dma_wait3A_242 : memref<600x128xf32, #tpu.memory_space<vmem_shared>>) dst(%dma_wait3A_237 : memref<128x128xf32, #tpu.memory_space<vmem>>)
      %add3A_243 = arith.addi %mul3A_2, %add3A_220 : i32
      %mul3A_244 = arith.constant 128 : i32
      %mul3A_245 = arith.muli %add3A_243, %mul3A_244 : i32
      %dma_start3A_246 = arith.constant 128 : i32
      %dma_start3A_247 = arith.constant 0 : i32
      %dma_start3A_248 = tpu.memref_slice %arg9[%dma_start3A_246, %dma_start3A_247] : memref<640x128xf32, #tpu.memory_space<vmem>> -> memref<128x128xf32, #tpu.memory_space<vmem>>
      %dma_start3A_249 = arith.constant 0 : i32
      %dma_start3A_250 = tpu.memref_slice %arg6[%mul3A_245, %dma_start3A_249] : memref<819200x128xf32, #tpu.memory_space<hbm>> -> memref<128x128xf32, #tpu.memory_space<hbm>>
      %dma_start3A_251 = arith.constant 0 : i32
      %dma_start3A_252 = tpu.memref_slice %arg6[%mul3A_245, %dma_start3A_251] : memref<819200x128xf32, #tpu.memory_space<hbm>> -> memref<128x128xf32, #tpu.memory_space<hbm>>
      %dma_start3A_253 = arith.constant 128 : i32
      %dma_start3A_254 = arith.constant 0 : i32
      %dma_start3A_255 = tpu.memref_slice %arg9[%dma_start3A_253, %dma_start3A_254] : memref<640x128xf32, #tpu.memory_space<vmem>> -> memref<128x128xf32, #tpu.memory_space<vmem>>
      tpu.enqueue_dma source(%dma_start3A_255 : memref<128x128xf32, #tpu.memory_space<vmem>>) target(%dma_start3A_252 : memref<128x128xf32, #tpu.memory_space<hbm>>) target_semaphore(%arg32 : memref<!tpu.dma_semaphore, #tpu.memory_space<semaphore_mem>>)
      %add3A_256 = arith.constant 5 : i32
      %add3A_257 = arith.addi %add3A_220, %add3A_256 : i32
      %lt3A_258 = arith.constant 200 : i32
      %lt3A_259 = arith.cmpi slt, %add3A_257, %lt3A_258 : i32
      %convert_element_type3A_260 = arith.extui %lt3A_259 : i1 to i32
      %cond3A_261 = arith.constant 0 : i32
      %cond3A_262 = arith.cmpi ne, %convert_element_type3A_260, %cond3A_261 : i32
      scf.if %cond3A_262 {
        %add3A_395 = arith.constant 5 : i32
        %add3A_396 = arith.addi %add3A_220, %add3A_395 : i32
        %add3A_397 = arith.addi %mul3A_2, %add3A_396 : i32
        %mul3A_398 = arith.constant 128 : i32
        %mul3A_399 = arith.muli %add3A_397, %mul3A_398 : i32
        %dma_start3A_400 = arith.constant 128 : i32
        %dma_start3A_401 = tpu.memref_slice %arg7[%dma_start3A_400] : memref<640xi32, #tpu.memory_space<vmem>> -> memref<128xi32, #tpu.memory_space<vmem>>
        %dma_start3A_402 = tpu.memref_slice %arg2[%mul3A_399] : memref<819200xi32, #tpu.memory_space<hbm>> -> memref<128xi32, #tpu.memory_space<hbm>>
        %dma_start3A_403 = arith.constant 128 : i32
        %dma_start3A_404 = tpu.memref_slice %arg7[%dma_start3A_403] : memref<640xi32, #tpu.memory_space<vmem>> -> memref<128xi32, #tpu.memory_space<vmem>>
        %dma_start3A_405 = tpu.memref_slice %arg2[%mul3A_399] : memref<819200xi32, #tpu.memory_space<hbm>> -> memref<128xi32, #tpu.memory_space<hbm>>
        tpu.enqueue_dma source(%dma_start3A_405 : memref<128xi32, #tpu.memory_space<hbm>>) target(%dma_start3A_404 : memref<128xi32, #tpu.memory_space<vmem>>) target_semaphore(%arg12 : memref<!tpu.dma_semaphore, #tpu.memory_space<semaphore_mem>>)
        %add3A_406 = arith.addi %mul3A_2, %add3A_396 : i32
        %mul3A_407 = arith.constant 128 : i32
        %mul3A_408 = arith.muli %add3A_406, %mul3A_407 : i32
        %dma_start3A_409 = arith.constant 128 : i32
        %dma_start3A_410 = tpu.memref_slice %arg8[%dma_start3A_409] : memref<640xi32, #tpu.memory_space<vmem>> -> memref<128xi32, #tpu.memory_space<vmem>>
        %dma_start3A_411 = tpu.memref_slice %arg3[%mul3A_408] : memref<819200xi32, #tpu.memory_space<hbm>> -> memref<128xi32, #tpu.memory_space<hbm>>
        %dma_start3A_412 = arith.constant 128 : i32
        %dma_start3A_413 = tpu.memref_slice %arg8[%dma_start3A_412] : memref<640xi32, #tpu.memory_space<vmem>> -> memref<128xi32, #tpu.memory_space<vmem>>
        %dma_start3A_414 = tpu.memref_slice %arg3[%mul3A_408] : memref<819200xi32, #tpu.memory_space<hbm>> -> memref<128xi32, #tpu.memory_space<hbm>>
        tpu.enqueue_dma source(%dma_start3A_414 : memref<128xi32, #tpu.memory_space<hbm>>) target(%dma_start3A_413 : memref<128xi32, #tpu.memory_space<vmem>>) target_semaphore(%arg17 : memref<!tpu.dma_semaphore, #tpu.memory_space<semaphore_mem>>)
      } else {
      }
      %add3A_263 = arith.constant 2 : i32
      %add3A_264 = arith.addi %add3A_175, %add3A_263 : i32
      %add3A_265 = arith.constant 3 : i32
      %add3A_266 = arith.addi %add3A_264, %add3A_265 : i32
      %lt3A_267 = arith.constant 200 : i32
      %lt3A_268 = arith.cmpi slt, %add3A_266, %lt3A_267 : i32
      %convert_element_type3A_269 = arith.extui %lt3A_268 : i1 to i32
      %cond3A_270 = arith.constant 0 : i32
      %cond3A_271 = arith.cmpi ne, %convert_element_type3A_269, %cond3A_270 : i32
      scf.if %cond3A_271 {
        %add3A_395 = arith.constant 3 : i32
        %add3A_396 = arith.addi %add3A_264, %add3A_395 : i32
        %add3A_397 = arith.addi %mul3A_2, %add3A_396 : i32
        %mul3A_398 = arith.constant 128 : i32
        %mul3A_399 = arith.muli %add3A_397, %mul3A_398 : i32
        %dma_wait3A_400 = arith.constant 0 : i32
        %dma_wait3A_401 = tpu.memref_slice %arg7[%dma_wait3A_400] : memref<640xi32, #tpu.memory_space<vmem>> -> memref<128xi32, #tpu.memory_space<vmem>>
        %dma_wait3A_402 = tpu.memref_slice %arg2[%mul3A_399] : memref<819200xi32, #tpu.memory_space<hbm>> -> memref<128xi32, #tpu.memory_space<hbm>>
        %dma_wait3A_403 = arith.constant 0 : i32
        %dma_wait3A_404 = tpu.memref_slice %arg7[%dma_wait3A_403] : memref<640xi32, #tpu.memory_space<vmem>> -> memref<128xi32, #tpu.memory_space<vmem>>
        %dma_wait3A_405 = tpu.memref_slice %arg2[%mul3A_399] : memref<819200xi32, #tpu.memory_space<hbm>> -> memref<128xi32, #tpu.memory_space<hbm>>
        tpu.wait_dma2 semaphore(%arg11 : memref<!tpu.dma_semaphore, #tpu.memory_space<semaphore_mem>>) src(%dma_wait3A_405 : memref<128xi32, #tpu.memory_space<hbm>>) dst(%dma_wait3A_404 : memref<128xi32, #tpu.memory_space<vmem>>)
        %add3A_406 = arith.addi %mul3A_2, %add3A_396 : i32
        %mul3A_407 = arith.constant 128 : i32
        %mul3A_408 = arith.muli %add3A_406, %mul3A_407 : i32
        %dma_wait3A_409 = arith.constant 0 : i32
        %dma_wait3A_410 = tpu.memref_slice %arg8[%dma_wait3A_409] : memref<640xi32, #tpu.memory_space<vmem>> -> memref<128xi32, #tpu.memory_space<vmem>>
        %dma_wait3A_411 = tpu.memref_slice %arg3[%mul3A_408] : memref<819200xi32, #tpu.memory_space<hbm>> -> memref<128xi32, #tpu.memory_space<hbm>>
        %dma_wait3A_412 = arith.constant 0 : i32
        %dma_wait3A_413 = tpu.memref_slice %arg8[%dma_wait3A_412] : memref<640xi32, #tpu.memory_space<vmem>> -> memref<128xi32, #tpu.memory_space<vmem>>
        %dma_wait3A_414 = tpu.memref_slice %arg3[%mul3A_408] : memref<819200xi32, #tpu.memory_space<hbm>> -> memref<128xi32, #tpu.memory_space<hbm>>
        tpu.wait_dma2 semaphore(%arg16 : memref<!tpu.dma_semaphore, #tpu.memory_space<semaphore_mem>>) src(%dma_wait3A_414 : memref<128xi32, #tpu.memory_space<hbm>>) dst(%dma_wait3A_413 : memref<128xi32, #tpu.memory_space<vmem>>)
        %add3A_415 = arith.constant 3 : i32
        %add3A_416 = arith.addi %add3A_264, %add3A_415 : i32
        %ge3A = arith.constant 5 : i32
        %ge3A_417 = arith.cmpi sge, %add3A_416, %ge3A : i32
        %convert_element_type3A_418 = arith.extui %ge3A_417 : i1 to i32
        %cond3A_419 = arith.constant 0 : i32
        %cond3A_420 = arith.cmpi ne, %convert_element_type3A_418, %cond3A_419 : i32
        scf.if %cond3A_420 {
          %dma_wait3A_431 = arith.constant 0 : i32
          %dma_wait3A_432 = arith.constant 0 : i32
          %dma_wait3A_433 = tpu.memref_slice %arg9[%dma_wait3A_431, %dma_wait3A_432] : memref<640x128xf32, #tpu.memory_space<vmem>> -> memref<128x128xf32, #tpu.memory_space<vmem>>
          %dma_wait3A_434 = arith.constant 0 : i32
          %dma_wait3A_435 = arith.constant 0 : i32
          %dma_wait3A_436 = tpu.memref_slice %arg6[%dma_wait3A_434, %dma_wait3A_435] : memref<819200x128xf32, #tpu.memory_space<hbm>> -> memref<128x128xf32, #tpu.memory_space<hbm>>
          %dma_wait3A_437 = arith.constant 0 : i32
          %dma_wait3A_438 = arith.constant 0 : i32
          %dma_wait3A_439 = tpu.memref_slice %arg6[%dma_wait3A_437, %dma_wait3A_438] : memref<819200x128xf32, #tpu.memory_space<hbm>> -> memref<128x128xf32, #tpu.memory_space<hbm>>
          %dma_wait3A_440 = arith.constant 0 : i32
          %dma_wait3A_441 = arith.constant 0 : i32
          %dma_wait3A_442 = tpu.memref_slice %arg9[%dma_wait3A_440, %dma_wait3A_441] : memref<640x128xf32, #tpu.memory_space<vmem>> -> memref<128x128xf32, #tpu.memory_space<vmem>>
          tpu.wait_dma2 semaphore(%arg31 : memref<!tpu.dma_semaphore, #tpu.memory_space<semaphore_mem>>) src(%dma_wait3A_442 : memref<128x128xf32, #tpu.memory_space<vmem>>) dst(%dma_wait3A_439 : memref<128x128xf32, #tpu.memory_space<hbm>>)
        } else {
        }
        %add3A_421 = arith.constant 3 : i32
        %add3A_422 = arith.addi %add3A_264, %add3A_421 : i32
        %dma_start3A_423 = arith.constant 0 : i32
        %dma_start3A_424 = arith.constant 0 : i32
        %dma_start3A_425 = tpu.memref_slice %arg9[%dma_start3A_423, %dma_start3A_424] : memref<640x128xf32, #tpu.memory_space<vmem>> -> memref<128x128xf32, #tpu.memory_space<vmem>>
        %dma_start3A_426 = arith.constant 0 : i32
        %dma_start3A_427 = tpu.memref_slice %arg7[%dma_start3A_426] : memref<640xi32, #tpu.memory_space<vmem>> -> memref<128xi32, #tpu.memory_space<vmem>>
        %dma_start3A_428 = arith.constant 0 : i32
        %dma_start3A_429 = arith.constant 0 : i32
        %dma_start3A_430 = tpu.memref_slice %arg4[%dma_start3A_428, %dma_start3A_429] : memref<100000x128xf32, #tpu.memory_space<hbm>> -> memref<100000x128xf32, #tpu.memory_space<hbm>>
        tpu.enqueue_indirect_dma source(%dma_start3A_430 : memref<100000x128xf32, #tpu.memory_space<hbm>>) target(%dma_start3A_425 : memref<128x128xf32, #tpu.memory_space<vmem>>) offsets(%dma_start3A_427 : memref<128xi32, #tpu.memory_space<vmem>>) semaphore(%arg21 : memref<!tpu.dma_semaphore, #tpu.memory_space<semaphore_mem>>)
      } else {
      }
      %add3A_272 = arith.constant 1 : i32
      %add3A_273 = arith.addi %add3A_264, %add3A_272 : i32
      %lt3A_274 = arith.constant 200 : i32
      %lt3A_275 = arith.cmpi slt, %add3A_273, %lt3A_274 : i32
      %convert_element_type3A_276 = arith.extui %lt3A_275 : i1 to i32
      %cond3A_277 = arith.constant 0 : i32
      %cond3A_278 = arith.cmpi ne, %convert_element_type3A_276, %cond3A_277 : i32
      scf.if %cond3A_278 {
        %add3A_395 = arith.constant 1 : i32
        %add3A_396 = arith.addi %add3A_264, %add3A_395 : i32
        %dma_wait3A_397 = arith.constant 384 : i32
        %dma_wait3A_398 = arith.constant 0 : i32
        %dma_wait3A_399 = tpu.memref_slice %arg9[%dma_wait3A_397, %dma_wait3A_398] : memref<640x128xf32, #tpu.memory_space<vmem>> -> memref<128x128xf32, #tpu.memory_space<vmem>>
        %dma_wait3A_400 = arith.constant 384 : i32
        %dma_wait3A_401 = tpu.memref_slice %arg7[%dma_wait3A_400] : memref<640xi32, #tpu.memory_space<vmem>> -> memref<128xi32, #tpu.memory_space<vmem>>
        %dma_wait3A_402 = arith.constant 0 : i32
        %dma_wait3A_403 = arith.constant 0 : i32
        %dma_wait3A_404 = tpu.memref_slice %arg4[%dma_wait3A_402, %dma_wait3A_403] : memref<100000x128xf32, #tpu.memory_space<hbm>> -> memref<100000x128xf32, #tpu.memory_space<hbm>>
        tpu.wait_indirect_dma semaphore(%arg24 : memref<!tpu.dma_semaphore, #tpu.memory_space<semaphore_mem>>) src(%dma_wait3A_404 : memref<100000x128xf32, #tpu.memory_space<hbm>>) dst(%dma_wait3A_399 : memref<128x128xf32, #tpu.memory_space<vmem>>)
        %add3A_405 = arith.constant 1 : i32
        %add3A_406 = arith.addi %add3A_264, %add3A_405 : i32
        %dma_start3A_407 = arith.constant 384 : i32
        %dma_start3A_408 = arith.constant 0 : i32
        %dma_start3A_409 = tpu.memref_slice %arg9[%dma_start3A_407, %dma_start3A_408] : memref<640x128xf32, #tpu.memory_space<vmem>> -> memref<128x128xf32, #tpu.memory_space<vmem>>
        %dma_start3A_410 = arith.constant 384 : i32
        %dma_start3A_411 = tpu.memref_slice %arg8[%dma_start3A_410] : memref<640xi32, #tpu.memory_space<vmem>> -> memref<128xi32, #tpu.memory_space<vmem>>
        %dma_start3A_412 = arith.constant 0 : i32
        %dma_start3A_413 = arith.constant 0 : i32
        %dma_start3A_414 = tpu.memref_slice %arg10[%dma_start3A_412, %dma_start3A_413] : memref<600x128xf32, #tpu.memory_space<vmem_shared>> -> memref<600x128xf32, #tpu.memory_space<vmem_shared>>
        tpu.enqueue_indirect_dma source(%dma_start3A_414 : memref<600x128xf32, #tpu.memory_space<vmem_shared>>) target(%dma_start3A_409 : memref<128x128xf32, #tpu.memory_space<vmem>>) offsets(%dma_start3A_411 : memref<128xi32, #tpu.memory_space<vmem>>) semaphore(%arg29 : memref<!tpu.dma_semaphore, #tpu.memory_space<semaphore_mem>>) {add = true}
      } else {
      }
      %dma_wait3A_279 = arith.constant 256 : i32
      %dma_wait3A_280 = arith.constant 0 : i32
      %dma_wait3A_281 = tpu.memref_slice %arg9[%dma_wait3A_279, %dma_wait3A_280] : memref<640x128xf32, #tpu.memory_space<vmem>> -> memref<128x128xf32, #tpu.memory_space<vmem>>
      %dma_wait3A_282 = arith.constant 256 : i32
      %dma_wait3A_283 = tpu.memref_slice %arg8[%dma_wait3A_282] : memref<640xi32, #tpu.memory_space<vmem>> -> memref<128xi32, #tpu.memory_space<vmem>>
      %dma_wait3A_284 = arith.constant 0 : i32
      %dma_wait3A_285 = arith.constant 0 : i32
      %dma_wait3A_286 = tpu.memref_slice %arg10[%dma_wait3A_284, %dma_wait3A_285] : memref<600x128xf32, #tpu.memory_space<vmem_shared>> -> memref<600x128xf32, #tpu.memory_space<vmem_shared>>
      tpu.wait_indirect_dma semaphore(%arg28 : memref<!tpu.dma_semaphore, #tpu.memory_space<semaphore_mem>>) src(%dma_wait3A_286 : memref<600x128xf32, #tpu.memory_space<vmem_shared>>) dst(%dma_wait3A_281 : memref<128x128xf32, #tpu.memory_space<vmem>>)
      %add3A_287 = arith.addi %mul3A_2, %add3A_264 : i32
      %mul3A_288 = arith.constant 128 : i32
      %mul3A_289 = arith.muli %add3A_287, %mul3A_288 : i32
      %dma_start3A_290 = arith.constant 256 : i32
      %dma_start3A_291 = arith.constant 0 : i32
      %dma_start3A_292 = tpu.memref_slice %arg9[%dma_start3A_290, %dma_start3A_291] : memref<640x128xf32, #tpu.memory_space<vmem>> -> memref<128x128xf32, #tpu.memory_space<vmem>>
      %dma_start3A_293 = arith.constant 0 : i32
      %dma_start3A_294 = tpu.memref_slice %arg6[%mul3A_289, %dma_start3A_293] : memref<819200x128xf32, #tpu.memory_space<hbm>> -> memref<128x128xf32, #tpu.memory_space<hbm>>
      %dma_start3A_295 = arith.constant 0 : i32
      %dma_start3A_296 = tpu.memref_slice %arg6[%mul3A_289, %dma_start3A_295] : memref<819200x128xf32, #tpu.memory_space<hbm>> -> memref<128x128xf32, #tpu.memory_space<hbm>>
      %dma_start3A_297 = arith.constant 256 : i32
      %dma_start3A_298 = arith.constant 0 : i32
      %dma_start3A_299 = tpu.memref_slice %arg9[%dma_start3A_297, %dma_start3A_298] : memref<640x128xf32, #tpu.memory_space<vmem>> -> memref<128x128xf32, #tpu.memory_space<vmem>>
      tpu.enqueue_dma source(%dma_start3A_299 : memref<128x128xf32, #tpu.memory_space<vmem>>) target(%dma_start3A_296 : memref<128x128xf32, #tpu.memory_space<hbm>>) target_semaphore(%arg33 : memref<!tpu.dma_semaphore, #tpu.memory_space<semaphore_mem>>)
      %add3A_300 = arith.constant 5 : i32
      %add3A_301 = arith.addi %add3A_264, %add3A_300 : i32
      %lt3A_302 = arith.constant 200 : i32
      %lt3A_303 = arith.cmpi slt, %add3A_301, %lt3A_302 : i32
      %convert_element_type3A_304 = arith.extui %lt3A_303 : i1 to i32
      %cond3A_305 = arith.constant 0 : i32
      %cond3A_306 = arith.cmpi ne, %convert_element_type3A_304, %cond3A_305 : i32
      scf.if %cond3A_306 {
        %add3A_395 = arith.constant 5 : i32
        %add3A_396 = arith.addi %add3A_264, %add3A_395 : i32
        %add3A_397 = arith.addi %mul3A_2, %add3A_396 : i32
        %mul3A_398 = arith.constant 128 : i32
        %mul3A_399 = arith.muli %add3A_397, %mul3A_398 : i32
        %dma_start3A_400 = arith.constant 256 : i32
        %dma_start3A_401 = tpu.memref_slice %arg7[%dma_start3A_400] : memref<640xi32, #tpu.memory_space<vmem>> -> memref<128xi32, #tpu.memory_space<vmem>>
        %dma_start3A_402 = tpu.memref_slice %arg2[%mul3A_399] : memref<819200xi32, #tpu.memory_space<hbm>> -> memref<128xi32, #tpu.memory_space<hbm>>
        %dma_start3A_403 = arith.constant 256 : i32
        %dma_start3A_404 = tpu.memref_slice %arg7[%dma_start3A_403] : memref<640xi32, #tpu.memory_space<vmem>> -> memref<128xi32, #tpu.memory_space<vmem>>
        %dma_start3A_405 = tpu.memref_slice %arg2[%mul3A_399] : memref<819200xi32, #tpu.memory_space<hbm>> -> memref<128xi32, #tpu.memory_space<hbm>>
        tpu.enqueue_dma source(%dma_start3A_405 : memref<128xi32, #tpu.memory_space<hbm>>) target(%dma_start3A_404 : memref<128xi32, #tpu.memory_space<vmem>>) target_semaphore(%arg13 : memref<!tpu.dma_semaphore, #tpu.memory_space<semaphore_mem>>)
        %add3A_406 = arith.addi %mul3A_2, %add3A_396 : i32
        %mul3A_407 = arith.constant 128 : i32
        %mul3A_408 = arith.muli %add3A_406, %mul3A_407 : i32
        %dma_start3A_409 = arith.constant 256 : i32
        %dma_start3A_410 = tpu.memref_slice %arg8[%dma_start3A_409] : memref<640xi32, #tpu.memory_space<vmem>> -> memref<128xi32, #tpu.memory_space<vmem>>
        %dma_start3A_411 = tpu.memref_slice %arg3[%mul3A_408] : memref<819200xi32, #tpu.memory_space<hbm>> -> memref<128xi32, #tpu.memory_space<hbm>>
        %dma_start3A_412 = arith.constant 256 : i32
        %dma_start3A_413 = tpu.memref_slice %arg8[%dma_start3A_412] : memref<640xi32, #tpu.memory_space<vmem>> -> memref<128xi32, #tpu.memory_space<vmem>>
        %dma_start3A_414 = tpu.memref_slice %arg3[%mul3A_408] : memref<819200xi32, #tpu.memory_space<hbm>> -> memref<128xi32, #tpu.memory_space<hbm>>
        tpu.enqueue_dma source(%dma_start3A_414 : memref<128xi32, #tpu.memory_space<hbm>>) target(%dma_start3A_413 : memref<128xi32, #tpu.memory_space<vmem>>) target_semaphore(%arg18 : memref<!tpu.dma_semaphore, #tpu.memory_space<semaphore_mem>>)
      } else {
      }
      %add3A_307 = arith.constant 3 : i32
      %add3A_308 = arith.addi %add3A_175, %add3A_307 : i32
      %add3A_309 = arith.constant 3 : i32
      %add3A_310 = arith.addi %add3A_308, %add3A_309 : i32
      %lt3A_311 = arith.constant 200 : i32
      %lt3A_312 = arith.cmpi slt, %add3A_310, %lt3A_311 : i32
      %convert_element_type3A_313 = arith.extui %lt3A_312 : i1 to i32
      %cond3A_314 = arith.constant 0 : i32
      %cond3A_315 = arith.cmpi ne, %convert_element_type3A_313, %cond3A_314 : i32
      scf.if %cond3A_315 {
        %add3A_395 = arith.constant 3 : i32
        %add3A_396 = arith.addi %add3A_308, %add3A_395 : i32
        %add3A_397 = arith.addi %mul3A_2, %add3A_396 : i32
        %mul3A_398 = arith.constant 128 : i32
        %mul3A_399 = arith.muli %add3A_397, %mul3A_398 : i32
        %dma_wait3A_400 = arith.constant 128 : i32
        %dma_wait3A_401 = tpu.memref_slice %arg7[%dma_wait3A_400] : memref<640xi32, #tpu.memory_space<vmem>> -> memref<128xi32, #tpu.memory_space<vmem>>
        %dma_wait3A_402 = tpu.memref_slice %arg2[%mul3A_399] : memref<819200xi32, #tpu.memory_space<hbm>> -> memref<128xi32, #tpu.memory_space<hbm>>
        %dma_wait3A_403 = arith.constant 128 : i32
        %dma_wait3A_404 = tpu.memref_slice %arg7[%dma_wait3A_403] : memref<640xi32, #tpu.memory_space<vmem>> -> memref<128xi32, #tpu.memory_space<vmem>>
        %dma_wait3A_405 = tpu.memref_slice %arg2[%mul3A_399] : memref<819200xi32, #tpu.memory_space<hbm>> -> memref<128xi32, #tpu.memory_space<hbm>>
        tpu.wait_dma2 semaphore(%arg12 : memref<!tpu.dma_semaphore, #tpu.memory_space<semaphore_mem>>) src(%dma_wait3A_405 : memref<128xi32, #tpu.memory_space<hbm>>) dst(%dma_wait3A_404 : memref<128xi32, #tpu.memory_space<vmem>>)
        %add3A_406 = arith.addi %mul3A_2, %add3A_396 : i32
        %mul3A_407 = arith.constant 128 : i32
        %mul3A_408 = arith.muli %add3A_406, %mul3A_407 : i32
        %dma_wait3A_409 = arith.constant 128 : i32
        %dma_wait3A_410 = tpu.memref_slice %arg8[%dma_wait3A_409] : memref<640xi32, #tpu.memory_space<vmem>> -> memref<128xi32, #tpu.memory_space<vmem>>
        %dma_wait3A_411 = tpu.memref_slice %arg3[%mul3A_408] : memref<819200xi32, #tpu.memory_space<hbm>> -> memref<128xi32, #tpu.memory_space<hbm>>
        %dma_wait3A_412 = arith.constant 128 : i32
        %dma_wait3A_413 = tpu.memref_slice %arg8[%dma_wait3A_412] : memref<640xi32, #tpu.memory_space<vmem>> -> memref<128xi32, #tpu.memory_space<vmem>>
        %dma_wait3A_414 = tpu.memref_slice %arg3[%mul3A_408] : memref<819200xi32, #tpu.memory_space<hbm>> -> memref<128xi32, #tpu.memory_space<hbm>>
        tpu.wait_dma2 semaphore(%arg17 : memref<!tpu.dma_semaphore, #tpu.memory_space<semaphore_mem>>) src(%dma_wait3A_414 : memref<128xi32, #tpu.memory_space<hbm>>) dst(%dma_wait3A_413 : memref<128xi32, #tpu.memory_space<vmem>>)
        %add3A_415 = arith.constant 3 : i32
        %add3A_416 = arith.addi %add3A_308, %add3A_415 : i32
        %ge3A = arith.constant 5 : i32
        %ge3A_417 = arith.cmpi sge, %add3A_416, %ge3A : i32
        %convert_element_type3A_418 = arith.extui %ge3A_417 : i1 to i32
        %cond3A_419 = arith.constant 0 : i32
        %cond3A_420 = arith.cmpi ne, %convert_element_type3A_418, %cond3A_419 : i32
        scf.if %cond3A_420 {
          %dma_wait3A_431 = arith.constant 128 : i32
          %dma_wait3A_432 = arith.constant 0 : i32
          %dma_wait3A_433 = tpu.memref_slice %arg9[%dma_wait3A_431, %dma_wait3A_432] : memref<640x128xf32, #tpu.memory_space<vmem>> -> memref<128x128xf32, #tpu.memory_space<vmem>>
          %dma_wait3A_434 = arith.constant 0 : i32
          %dma_wait3A_435 = arith.constant 0 : i32
          %dma_wait3A_436 = tpu.memref_slice %arg6[%dma_wait3A_434, %dma_wait3A_435] : memref<819200x128xf32, #tpu.memory_space<hbm>> -> memref<128x128xf32, #tpu.memory_space<hbm>>
          %dma_wait3A_437 = arith.constant 0 : i32
          %dma_wait3A_438 = arith.constant 0 : i32
          %dma_wait3A_439 = tpu.memref_slice %arg6[%dma_wait3A_437, %dma_wait3A_438] : memref<819200x128xf32, #tpu.memory_space<hbm>> -> memref<128x128xf32, #tpu.memory_space<hbm>>
          %dma_wait3A_440 = arith.constant 128 : i32
          %dma_wait3A_441 = arith.constant 0 : i32
          %dma_wait3A_442 = tpu.memref_slice %arg9[%dma_wait3A_440, %dma_wait3A_441] : memref<640x128xf32, #tpu.memory_space<vmem>> -> memref<128x128xf32, #tpu.memory_space<vmem>>
          tpu.wait_dma2 semaphore(%arg32 : memref<!tpu.dma_semaphore, #tpu.memory_space<semaphore_mem>>) src(%dma_wait3A_442 : memref<128x128xf32, #tpu.memory_space<vmem>>) dst(%dma_wait3A_439 : memref<128x128xf32, #tpu.memory_space<hbm>>)
        } else {
        }
        %add3A_421 = arith.constant 3 : i32
        %add3A_422 = arith.addi %add3A_308, %add3A_421 : i32
        %dma_start3A_423 = arith.constant 128 : i32
        %dma_start3A_424 = arith.constant 0 : i32
        %dma_start3A_425 = tpu.memref_slice %arg9[%dma_start3A_423, %dma_start3A_424] : memref<640x128xf32, #tpu.memory_space<vmem>> -> memref<128x128xf32, #tpu.memory_space<vmem>>
        %dma_start3A_426 = arith.constant 128 : i32
        %dma_start3A_427 = tpu.memref_slice %arg7[%dma_start3A_426] : memref<640xi32, #tpu.memory_space<vmem>> -> memref<128xi32, #tpu.memory_space<vmem>>
        %dma_start3A_428 = arith.constant 0 : i32
        %dma_start3A_429 = arith.constant 0 : i32
        %dma_start3A_430 = tpu.memref_slice %arg4[%dma_start3A_428, %dma_start3A_429] : memref<100000x128xf32, #tpu.memory_space<hbm>> -> memref<100000x128xf32, #tpu.memory_space<hbm>>
        tpu.enqueue_indirect_dma source(%dma_start3A_430 : memref<100000x128xf32, #tpu.memory_space<hbm>>) target(%dma_start3A_425 : memref<128x128xf32, #tpu.memory_space<vmem>>) offsets(%dma_start3A_427 : memref<128xi32, #tpu.memory_space<vmem>>) semaphore(%arg22 : memref<!tpu.dma_semaphore, #tpu.memory_space<semaphore_mem>>)
      } else {
      }
      %add3A_316 = arith.constant 1 : i32
      %add3A_317 = arith.addi %add3A_308, %add3A_316 : i32
      %lt3A_318 = arith.constant 200 : i32
      %lt3A_319 = arith.cmpi slt, %add3A_317, %lt3A_318 : i32
      %convert_element_type3A_320 = arith.extui %lt3A_319 : i1 to i32
      %cond3A_321 = arith.constant 0 : i32
      %cond3A_322 = arith.cmpi ne, %convert_element_type3A_320, %cond3A_321 : i32
      scf.if %cond3A_322 {
        %add3A_395 = arith.constant 1 : i32
        %add3A_396 = arith.addi %add3A_308, %add3A_395 : i32
        %dma_wait3A_397 = arith.constant 512 : i32
        %dma_wait3A_398 = arith.constant 0 : i32
        %dma_wait3A_399 = tpu.memref_slice %arg9[%dma_wait3A_397, %dma_wait3A_398] : memref<640x128xf32, #tpu.memory_space<vmem>> -> memref<128x128xf32, #tpu.memory_space<vmem>>
        %dma_wait3A_400 = arith.constant 512 : i32
        %dma_wait3A_401 = tpu.memref_slice %arg7[%dma_wait3A_400] : memref<640xi32, #tpu.memory_space<vmem>> -> memref<128xi32, #tpu.memory_space<vmem>>
        %dma_wait3A_402 = arith.constant 0 : i32
        %dma_wait3A_403 = arith.constant 0 : i32
        %dma_wait3A_404 = tpu.memref_slice %arg4[%dma_wait3A_402, %dma_wait3A_403] : memref<100000x128xf32, #tpu.memory_space<hbm>> -> memref<100000x128xf32, #tpu.memory_space<hbm>>
        tpu.wait_indirect_dma semaphore(%arg25 : memref<!tpu.dma_semaphore, #tpu.memory_space<semaphore_mem>>) src(%dma_wait3A_404 : memref<100000x128xf32, #tpu.memory_space<hbm>>) dst(%dma_wait3A_399 : memref<128x128xf32, #tpu.memory_space<vmem>>)
        %add3A_405 = arith.constant 1 : i32
        %add3A_406 = arith.addi %add3A_308, %add3A_405 : i32
        %dma_start3A_407 = arith.constant 512 : i32
        %dma_start3A_408 = arith.constant 0 : i32
        %dma_start3A_409 = tpu.memref_slice %arg9[%dma_start3A_407, %dma_start3A_408] : memref<640x128xf32, #tpu.memory_space<vmem>> -> memref<128x128xf32, #tpu.memory_space<vmem>>
        %dma_start3A_410 = arith.constant 512 : i32
        %dma_start3A_411 = tpu.memref_slice %arg8[%dma_start3A_410] : memref<640xi32, #tpu.memory_space<vmem>> -> memref<128xi32, #tpu.memory_space<vmem>>
        %dma_start3A_412 = arith.constant 0 : i32
        %dma_start3A_413 = arith.constant 0 : i32
        %dma_start3A_414 = tpu.memref_slice %arg10[%dma_start3A_412, %dma_start3A_413] : memref<600x128xf32, #tpu.memory_space<vmem_shared>> -> memref<600x128xf32, #tpu.memory_space<vmem_shared>>
        tpu.enqueue_indirect_dma source(%dma_start3A_414 : memref<600x128xf32, #tpu.memory_space<vmem_shared>>) target(%dma_start3A_409 : memref<128x128xf32, #tpu.memory_space<vmem>>) offsets(%dma_start3A_411 : memref<128xi32, #tpu.memory_space<vmem>>) semaphore(%arg30 : memref<!tpu.dma_semaphore, #tpu.memory_space<semaphore_mem>>) {add = true}
      } else {
      }
      %dma_wait3A_323 = arith.constant 384 : i32
      %dma_wait3A_324 = arith.constant 0 : i32
      %dma_wait3A_325 = tpu.memref_slice %arg9[%dma_wait3A_323, %dma_wait3A_324] : memref<640x128xf32, #tpu.memory_space<vmem>> -> memref<128x128xf32, #tpu.memory_space<vmem>>
      %dma_wait3A_326 = arith.constant 384 : i32
      %dma_wait3A_327 = tpu.memref_slice %arg8[%dma_wait3A_326] : memref<640xi32, #tpu.memory_space<vmem>> -> memref<128xi32, #tpu.memory_space<vmem>>
      %dma_wait3A_328 = arith.constant 0 : i32
      %dma_wait3A_329 = arith.constant 0 : i32
      %dma_wait3A_330 = tpu.memref_slice %arg10[%dma_wait3A_328, %dma_wait3A_329] : memref<600x128xf32, #tpu.memory_space<vmem_shared>> -> memref<600x128xf32, #tpu.memory_space<vmem_shared>>
      tpu.wait_indirect_dma semaphore(%arg29 : memref<!tpu.dma_semaphore, #tpu.memory_space<semaphore_mem>>) src(%dma_wait3A_330 : memref<600x128xf32, #tpu.memory_space<vmem_shared>>) dst(%dma_wait3A_325 : memref<128x128xf32, #tpu.memory_space<vmem>>)
      %add3A_331 = arith.addi %mul3A_2, %add3A_308 : i32
      %mul3A_332 = arith.constant 128 : i32
      %mul3A_333 = arith.muli %add3A_331, %mul3A_332 : i32
      %dma_start3A_334 = arith.constant 384 : i32
      %dma_start3A_335 = arith.constant 0 : i32
      %dma_start3A_336 = tpu.memref_slice %arg9[%dma_start3A_334, %dma_start3A_335] : memref<640x128xf32, #tpu.memory_space<vmem>> -> memref<128x128xf32, #tpu.memory_space<vmem>>
      %dma_start3A_337 = arith.constant 0 : i32
      %dma_start3A_338 = tpu.memref_slice %arg6[%mul3A_333, %dma_start3A_337] : memref<819200x128xf32, #tpu.memory_space<hbm>> -> memref<128x128xf32, #tpu.memory_space<hbm>>
      %dma_start3A_339 = arith.constant 0 : i32
      %dma_start3A_340 = tpu.memref_slice %arg6[%mul3A_333, %dma_start3A_339] : memref<819200x128xf32, #tpu.memory_space<hbm>> -> memref<128x128xf32, #tpu.memory_space<hbm>>
      %dma_start3A_341 = arith.constant 384 : i32
      %dma_start3A_342 = arith.constant 0 : i32
      %dma_start3A_343 = tpu.memref_slice %arg9[%dma_start3A_341, %dma_start3A_342] : memref<640x128xf32, #tpu.memory_space<vmem>> -> memref<128x128xf32, #tpu.memory_space<vmem>>
      tpu.enqueue_dma source(%dma_start3A_343 : memref<128x128xf32, #tpu.memory_space<vmem>>) target(%dma_start3A_340 : memref<128x128xf32, #tpu.memory_space<hbm>>) target_semaphore(%arg34 : memref<!tpu.dma_semaphore, #tpu.memory_space<semaphore_mem>>)
      %add3A_344 = arith.constant 5 : i32
      %add3A_345 = arith.addi %add3A_308, %add3A_344 : i32
      %lt3A_346 = arith.constant 200 : i32
      %lt3A_347 = arith.cmpi slt, %add3A_345, %lt3A_346 : i32
      %convert_element_type3A_348 = arith.extui %lt3A_347 : i1 to i32
      %cond3A_349 = arith.constant 0 : i32
      %cond3A_350 = arith.cmpi ne, %convert_element_type3A_348, %cond3A_349 : i32
      scf.if %cond3A_350 {
        %add3A_395 = arith.constant 5 : i32
        %add3A_396 = arith.addi %add3A_308, %add3A_395 : i32
        %add3A_397 = arith.addi %mul3A_2, %add3A_396 : i32
        %mul3A_398 = arith.constant 128 : i32
        %mul3A_399 = arith.muli %add3A_397, %mul3A_398 : i32
        %dma_start3A_400 = arith.constant 384 : i32
        %dma_start3A_401 = tpu.memref_slice %arg7[%dma_start3A_400] : memref<640xi32, #tpu.memory_space<vmem>> -> memref<128xi32, #tpu.memory_space<vmem>>
        %dma_start3A_402 = tpu.memref_slice %arg2[%mul3A_399] : memref<819200xi32, #tpu.memory_space<hbm>> -> memref<128xi32, #tpu.memory_space<hbm>>
        %dma_start3A_403 = arith.constant 384 : i32
        %dma_start3A_404 = tpu.memref_slice %arg7[%dma_start3A_403] : memref<640xi32, #tpu.memory_space<vmem>> -> memref<128xi32, #tpu.memory_space<vmem>>
        %dma_start3A_405 = tpu.memref_slice %arg2[%mul3A_399] : memref<819200xi32, #tpu.memory_space<hbm>> -> memref<128xi32, #tpu.memory_space<hbm>>
        tpu.enqueue_dma source(%dma_start3A_405 : memref<128xi32, #tpu.memory_space<hbm>>) target(%dma_start3A_404 : memref<128xi32, #tpu.memory_space<vmem>>) target_semaphore(%arg14 : memref<!tpu.dma_semaphore, #tpu.memory_space<semaphore_mem>>)
        %add3A_406 = arith.addi %mul3A_2, %add3A_396 : i32
        %mul3A_407 = arith.constant 128 : i32
        %mul3A_408 = arith.muli %add3A_406, %mul3A_407 : i32
        %dma_start3A_409 = arith.constant 384 : i32
        %dma_start3A_410 = tpu.memref_slice %arg8[%dma_start3A_409] : memref<640xi32, #tpu.memory_space<vmem>> -> memref<128xi32, #tpu.memory_space<vmem>>
        %dma_start3A_411 = tpu.memref_slice %arg3[%mul3A_408] : memref<819200xi32, #tpu.memory_space<hbm>> -> memref<128xi32, #tpu.memory_space<hbm>>
        %dma_start3A_412 = arith.constant 384 : i32
        %dma_start3A_413 = tpu.memref_slice %arg8[%dma_start3A_412] : memref<640xi32, #tpu.memory_space<vmem>> -> memref<128xi32, #tpu.memory_space<vmem>>
        %dma_start3A_414 = tpu.memref_slice %arg3[%mul3A_408] : memref<819200xi32, #tpu.memory_space<hbm>> -> memref<128xi32, #tpu.memory_space<hbm>>
        tpu.enqueue_dma source(%dma_start3A_414 : memref<128xi32, #tpu.memory_space<hbm>>) target(%dma_start3A_413 : memref<128xi32, #tpu.memory_space<vmem>>) target_semaphore(%arg19 : memref<!tpu.dma_semaphore, #tpu.memory_space<semaphore_mem>>)
      } else {
      }
      %add3A_351 = arith.constant 4 : i32
      %add3A_352 = arith.addi %add3A_175, %add3A_351 : i32
      %add3A_353 = arith.constant 3 : i32
      %add3A_354 = arith.addi %add3A_352, %add3A_353 : i32
      %lt3A_355 = arith.constant 200 : i32
      %lt3A_356 = arith.cmpi slt, %add3A_354, %lt3A_355 : i32
      %convert_element_type3A_357 = arith.extui %lt3A_356 : i1 to i32
      %cond3A_358 = arith.constant 0 : i32
      %cond3A_359 = arith.cmpi ne, %convert_element_type3A_357, %cond3A_358 : i32
      scf.if %cond3A_359 {
        %add3A_395 = arith.constant 3 : i32
        %add3A_396 = arith.addi %add3A_352, %add3A_395 : i32
        %add3A_397 = arith.addi %mul3A_2, %add3A_396 : i32
        %mul3A_398 = arith.constant 128 : i32
        %mul3A_399 = arith.muli %add3A_397, %mul3A_398 : i32
        %dma_wait3A_400 = arith.constant 256 : i32
        %dma_wait3A_401 = tpu.memref_slice %arg7[%dma_wait3A_400] : memref<640xi32, #tpu.memory_space<vmem>> -> memref<128xi32, #tpu.memory_space<vmem>>
        %dma_wait3A_402 = tpu.memref_slice %arg2[%mul3A_399] : memref<819200xi32, #tpu.memory_space<hbm>> -> memref<128xi32, #tpu.memory_space<hbm>>
        %dma_wait3A_403 = arith.constant 256 : i32
        %dma_wait3A_404 = tpu.memref_slice %arg7[%dma_wait3A_403] : memref<640xi32, #tpu.memory_space<vmem>> -> memref<128xi32, #tpu.memory_space<vmem>>
        %dma_wait3A_405 = tpu.memref_slice %arg2[%mul3A_399] : memref<819200xi32, #tpu.memory_space<hbm>> -> memref<128xi32, #tpu.memory_space<hbm>>
        tpu.wait_dma2 semaphore(%arg13 : memref<!tpu.dma_semaphore, #tpu.memory_space<semaphore_mem>>) src(%dma_wait3A_405 : memref<128xi32, #tpu.memory_space<hbm>>) dst(%dma_wait3A_404 : memref<128xi32, #tpu.memory_space<vmem>>)
        %add3A_406 = arith.addi %mul3A_2, %add3A_396 : i32
        %mul3A_407 = arith.constant 128 : i32
        %mul3A_408 = arith.muli %add3A_406, %mul3A_407 : i32
        %dma_wait3A_409 = arith.constant 256 : i32
        %dma_wait3A_410 = tpu.memref_slice %arg8[%dma_wait3A_409] : memref<640xi32, #tpu.memory_space<vmem>> -> memref<128xi32, #tpu.memory_space<vmem>>
        %dma_wait3A_411 = tpu.memref_slice %arg3[%mul3A_408] : memref<819200xi32, #tpu.memory_space<hbm>> -> memref<128xi32, #tpu.memory_space<hbm>>
        %dma_wait3A_412 = arith.constant 256 : i32
        %dma_wait3A_413 = tpu.memref_slice %arg8[%dma_wait3A_412] : memref<640xi32, #tpu.memory_space<vmem>> -> memref<128xi32, #tpu.memory_space<vmem>>
        %dma_wait3A_414 = tpu.memref_slice %arg3[%mul3A_408] : memref<819200xi32, #tpu.memory_space<hbm>> -> memref<128xi32, #tpu.memory_space<hbm>>
        tpu.wait_dma2 semaphore(%arg18 : memref<!tpu.dma_semaphore, #tpu.memory_space<semaphore_mem>>) src(%dma_wait3A_414 : memref<128xi32, #tpu.memory_space<hbm>>) dst(%dma_wait3A_413 : memref<128xi32, #tpu.memory_space<vmem>>)
        %add3A_415 = arith.constant 3 : i32
        %add3A_416 = arith.addi %add3A_352, %add3A_415 : i32
        %ge3A = arith.constant 5 : i32
        %ge3A_417 = arith.cmpi sge, %add3A_416, %ge3A : i32
        %convert_element_type3A_418 = arith.extui %ge3A_417 : i1 to i32
        %cond3A_419 = arith.constant 0 : i32
        %cond3A_420 = arith.cmpi ne, %convert_element_type3A_418, %cond3A_419 : i32
        scf.if %cond3A_420 {
          %dma_wait3A_431 = arith.constant 256 : i32
          %dma_wait3A_432 = arith.constant 0 : i32
          %dma_wait3A_433 = tpu.memref_slice %arg9[%dma_wait3A_431, %dma_wait3A_432] : memref<640x128xf32, #tpu.memory_space<vmem>> -> memref<128x128xf32, #tpu.memory_space<vmem>>
          %dma_wait3A_434 = arith.constant 0 : i32
          %dma_wait3A_435 = arith.constant 0 : i32
          %dma_wait3A_436 = tpu.memref_slice %arg6[%dma_wait3A_434, %dma_wait3A_435] : memref<819200x128xf32, #tpu.memory_space<hbm>> -> memref<128x128xf32, #tpu.memory_space<hbm>>
          %dma_wait3A_437 = arith.constant 0 : i32
          %dma_wait3A_438 = arith.constant 0 : i32
          %dma_wait3A_439 = tpu.memref_slice %arg6[%dma_wait3A_437, %dma_wait3A_438] : memref<819200x128xf32, #tpu.memory_space<hbm>> -> memref<128x128xf32, #tpu.memory_space<hbm>>
          %dma_wait3A_440 = arith.constant 256 : i32
          %dma_wait3A_441 = arith.constant 0 : i32
          %dma_wait3A_442 = tpu.memref_slice %arg9[%dma_wait3A_440, %dma_wait3A_441] : memref<640x128xf32, #tpu.memory_space<vmem>> -> memref<128x128xf32, #tpu.memory_space<vmem>>
          tpu.wait_dma2 semaphore(%arg33 : memref<!tpu.dma_semaphore, #tpu.memory_space<semaphore_mem>>) src(%dma_wait3A_442 : memref<128x128xf32, #tpu.memory_space<vmem>>) dst(%dma_wait3A_439 : memref<128x128xf32, #tpu.memory_space<hbm>>)
        } else {
        }
        %add3A_421 = arith.constant 3 : i32
        %add3A_422 = arith.addi %add3A_352, %add3A_421 : i32
        %dma_start3A_423 = arith.constant 256 : i32
        %dma_start3A_424 = arith.constant 0 : i32
        %dma_start3A_425 = tpu.memref_slice %arg9[%dma_start3A_423, %dma_start3A_424] : memref<640x128xf32, #tpu.memory_space<vmem>> -> memref<128x128xf32, #tpu.memory_space<vmem>>
        %dma_start3A_426 = arith.constant 256 : i32
        %dma_start3A_427 = tpu.memref_slice %arg7[%dma_start3A_426] : memref<640xi32, #tpu.memory_space<vmem>> -> memref<128xi32, #tpu.memory_space<vmem>>
        %dma_start3A_428 = arith.constant 0 : i32
        %dma_start3A_429 = arith.constant 0 : i32
        %dma_start3A_430 = tpu.memref_slice %arg4[%dma_start3A_428, %dma_start3A_429] : memref<100000x128xf32, #tpu.memory_space<hbm>> -> memref<100000x128xf32, #tpu.memory_space<hbm>>
        tpu.enqueue_indirect_dma source(%dma_start3A_430 : memref<100000x128xf32, #tpu.memory_space<hbm>>) target(%dma_start3A_425 : memref<128x128xf32, #tpu.memory_space<vmem>>) offsets(%dma_start3A_427 : memref<128xi32, #tpu.memory_space<vmem>>) semaphore(%arg23 : memref<!tpu.dma_semaphore, #tpu.memory_space<semaphore_mem>>)
      } else {
      }
      %add3A_360 = arith.constant 1 : i32
      %add3A_361 = arith.addi %add3A_352, %add3A_360 : i32
      %lt3A_362 = arith.constant 200 : i32
      %lt3A_363 = arith.cmpi slt, %add3A_361, %lt3A_362 : i32
      %convert_element_type3A_364 = arith.extui %lt3A_363 : i1 to i32
      %cond3A_365 = arith.constant 0 : i32
      %cond3A_366 = arith.cmpi ne, %convert_element_type3A_364, %cond3A_365 : i32
      scf.if %cond3A_366 {
        %add3A_395 = arith.constant 1 : i32
        %add3A_396 = arith.addi %add3A_352, %add3A_395 : i32
        %dma_wait3A_397 = arith.constant 0 : i32
        %dma_wait3A_398 = arith.constant 0 : i32
        %dma_wait3A_399 = tpu.memref_slice %arg9[%dma_wait3A_397, %dma_wait3A_398] : memref<640x128xf32, #tpu.memory_space<vmem>> -> memref<128x128xf32, #tpu.memory_space<vmem>>
        %dma_wait3A_400 = arith.constant 0 : i32
        %dma_wait3A_401 = tpu.memref_slice %arg7[%dma_wait3A_400] : memref<640xi32, #tpu.memory_space<vmem>> -> memref<128xi32, #tpu.memory_space<vmem>>
        %dma_wait3A_402 = arith.constant 0 : i32
        %dma_wait3A_403 = arith.constant 0 : i32
        %dma_wait3A_404 = tpu.memref_slice %arg4[%dma_wait3A_402, %dma_wait3A_403] : memref<100000x128xf32, #tpu.memory_space<hbm>> -> memref<100000x128xf32, #tpu.memory_space<hbm>>
        tpu.wait_indirect_dma semaphore(%arg21 : memref<!tpu.dma_semaphore, #tpu.memory_space<semaphore_mem>>) src(%dma_wait3A_404 : memref<100000x128xf32, #tpu.memory_space<hbm>>) dst(%dma_wait3A_399 : memref<128x128xf32, #tpu.memory_space<vmem>>)
        %add3A_405 = arith.constant 1 : i32
        %add3A_406 = arith.addi %add3A_352, %add3A_405 : i32
        %dma_start3A_407 = arith.constant 0 : i32
        %dma_start3A_408 = arith.constant 0 : i32
        %dma_start3A_409 = tpu.memref_slice %arg9[%dma_start3A_407, %dma_start3A_408] : memref<640x128xf32, #tpu.memory_space<vmem>> -> memref<128x128xf32, #tpu.memory_space<vmem>>
        %dma_start3A_410 = arith.constant 0 : i32
        %dma_start3A_411 = tpu.memref_slice %arg8[%dma_start3A_410] : memref<640xi32, #tpu.memory_space<vmem>> -> memref<128xi32, #tpu.memory_space<vmem>>
        %dma_start3A_412 = arith.constant 0 : i32
        %dma_start3A_413 = arith.constant 0 : i32
        %dma_start3A_414 = tpu.memref_slice %arg10[%dma_start3A_412, %dma_start3A_413] : memref<600x128xf32, #tpu.memory_space<vmem_shared>> -> memref<600x128xf32, #tpu.memory_space<vmem_shared>>
        tpu.enqueue_indirect_dma source(%dma_start3A_414 : memref<600x128xf32, #tpu.memory_space<vmem_shared>>) target(%dma_start3A_409 : memref<128x128xf32, #tpu.memory_space<vmem>>) offsets(%dma_start3A_411 : memref<128xi32, #tpu.memory_space<vmem>>) semaphore(%arg26 : memref<!tpu.dma_semaphore, #tpu.memory_space<semaphore_mem>>) {add = true}
      } else {
      }
      %dma_wait3A_367 = arith.constant 512 : i32
      %dma_wait3A_368 = arith.constant 0 : i32
      %dma_wait3A_369 = tpu.memref_slice %arg9[%dma_wait3A_367, %dma_wait3A_368] : memref<640x128xf32, #tpu.memory_space<vmem>> -> memref<128x128xf32, #tpu.memory_space<vmem>>
      %dma_wait3A_370 = arith.constant 512 : i32
      %dma_wait3A_371 = tpu.memref_slice %arg8[%dma_wait3A_370] : memref<640xi32, #tpu.memory_space<vmem>> -> memref<128xi32, #tpu.memory_space<vmem>>
      %dma_wait3A_372 = arith.constant 0 : i32
      %dma_wait3A_373 = arith.constant 0 : i32
      %dma_wait3A_374 = tpu.memref_slice %arg10[%dma_wait3A_372, %dma_wait3A_373] : memref<600x128xf32, #tpu.memory_space<vmem_shared>> -> memref<600x128xf32, #tpu.memory_space<vmem_shared>>
      tpu.wait_indirect_dma semaphore(%arg30 : memref<!tpu.dma_semaphore, #tpu.memory_space<semaphore_mem>>) src(%dma_wait3A_374 : memref<600x128xf32, #tpu.memory_space<vmem_shared>>) dst(%dma_wait3A_369 : memref<128x128xf32, #tpu.memory_space<vmem>>)
      %add3A_375 = arith.addi %mul3A_2, %add3A_352 : i32
      %mul3A_376 = arith.constant 128 : i32
      %mul3A_377 = arith.muli %add3A_375, %mul3A_376 : i32
      %dma_start3A_378 = arith.constant 512 : i32
      %dma_start3A_379 = arith.constant 0 : i32
      %dma_start3A_380 = tpu.memref_slice %arg9[%dma_start3A_378, %dma_start3A_379] : memref<640x128xf32, #tpu.memory_space<vmem>> -> memref<128x128xf32, #tpu.memory_space<vmem>>
      %dma_start3A_381 = arith.constant 0 : i32
      %dma_start3A_382 = tpu.memref_slice %arg6[%mul3A_377, %dma_start3A_381] : memref<819200x128xf32, #tpu.memory_space<hbm>> -> memref<128x128xf32, #tpu.memory_space<hbm>>
      %dma_start3A_383 = arith.constant 0 : i32
      %dma_start3A_384 = tpu.memref_slice %arg6[%mul3A_377, %dma_start3A_383] : memref<819200x128xf32, #tpu.memory_space<hbm>> -> memref<128x128xf32, #tpu.memory_space<hbm>>
      %dma_start3A_385 = arith.constant 512 : i32
      %dma_start3A_386 = arith.constant 0 : i32
      %dma_start3A_387 = tpu.memref_slice %arg9[%dma_start3A_385, %dma_start3A_386] : memref<640x128xf32, #tpu.memory_space<vmem>> -> memref<128x128xf32, #tpu.memory_space<vmem>>
      tpu.enqueue_dma source(%dma_start3A_387 : memref<128x128xf32, #tpu.memory_space<vmem>>) target(%dma_start3A_384 : memref<128x128xf32, #tpu.memory_space<hbm>>) target_semaphore(%arg35 : memref<!tpu.dma_semaphore, #tpu.memory_space<semaphore_mem>>)
      %add3A_388 = arith.constant 5 : i32
      %add3A_389 = arith.addi %add3A_352, %add3A_388 : i32
      %lt3A_390 = arith.constant 200 : i32
      %lt3A_391 = arith.cmpi slt, %add3A_389, %lt3A_390 : i32
      %convert_element_type3A_392 = arith.extui %lt3A_391 : i1 to i32
      %cond3A_393 = arith.constant 0 : i32
      %cond3A_394 = arith.cmpi ne, %convert_element_type3A_392, %cond3A_393 : i32
      scf.if %cond3A_394 {
        %add3A_395 = arith.constant 5 : i32
        %add3A_396 = arith.addi %add3A_352, %add3A_395 : i32
        %add3A_397 = arith.addi %mul3A_2, %add3A_396 : i32
        %mul3A_398 = arith.constant 128 : i32
        %mul3A_399 = arith.muli %add3A_397, %mul3A_398 : i32
        %dma_start3A_400 = arith.constant 512 : i32
        %dma_start3A_401 = tpu.memref_slice %arg7[%dma_start3A_400] : memref<640xi32, #tpu.memory_space<vmem>> -> memref<128xi32, #tpu.memory_space<vmem>>
        %dma_start3A_402 = tpu.memref_slice %arg2[%mul3A_399] : memref<819200xi32, #tpu.memory_space<hbm>> -> memref<128xi32, #tpu.memory_space<hbm>>
        %dma_start3A_403 = arith.constant 512 : i32
        %dma_start3A_404 = tpu.memref_slice %arg7[%dma_start3A_403] : memref<640xi32, #tpu.memory_space<vmem>> -> memref<128xi32, #tpu.memory_space<vmem>>
        %dma_start3A_405 = tpu.memref_slice %arg2[%mul3A_399] : memref<819200xi32, #tpu.memory_space<hbm>> -> memref<128xi32, #tpu.memory_space<hbm>>
        tpu.enqueue_dma source(%dma_start3A_405 : memref<128xi32, #tpu.memory_space<hbm>>) target(%dma_start3A_404 : memref<128xi32, #tpu.memory_space<vmem>>) target_semaphore(%arg15 : memref<!tpu.dma_semaphore, #tpu.memory_space<semaphore_mem>>)
        %add3A_406 = arith.addi %mul3A_2, %add3A_396 : i32
        %mul3A_407 = arith.constant 128 : i32
        %mul3A_408 = arith.muli %add3A_406, %mul3A_407 : i32
        %dma_start3A_409 = arith.constant 512 : i32
        %dma_start3A_410 = tpu.memref_slice %arg8[%dma_start3A_409] : memref<640xi32, #tpu.memory_space<vmem>> -> memref<128xi32, #tpu.memory_space<vmem>>
        %dma_start3A_411 = tpu.memref_slice %arg3[%mul3A_408] : memref<819200xi32, #tpu.memory_space<hbm>> -> memref<128xi32, #tpu.memory_space<hbm>>
        %dma_start3A_412 = arith.constant 512 : i32
        %dma_start3A_413 = tpu.memref_slice %arg8[%dma_start3A_412] : memref<640xi32, #tpu.memory_space<vmem>> -> memref<128xi32, #tpu.memory_space<vmem>>
        %dma_start3A_414 = tpu.memref_slice %arg3[%mul3A_408] : memref<819200xi32, #tpu.memory_space<hbm>> -> memref<128xi32, #tpu.memory_space<hbm>>
        tpu.enqueue_dma source(%dma_start3A_414 : memref<128xi32, #tpu.memory_space<hbm>>) target(%dma_start3A_413 : memref<128xi32, #tpu.memory_space<vmem>>) target_semaphore(%arg20 : memref<!tpu.dma_semaphore, #tpu.memory_space<semaphore_mem>>)
      } else {
      }
    }
    %scan3A_110 = arith.constant 40 : i32
    %dma_wait3A_111 = arith.constant 0 : i32
    %dma_wait3A_112 = arith.constant 0 : i32
    %dma_wait3A_113 = tpu.memref_slice %arg9[%dma_wait3A_111, %dma_wait3A_112] : memref<640x128xf32, #tpu.memory_space<vmem>> -> memref<128x128xf32, #tpu.memory_space<vmem>>
    %dma_wait3A_114 = arith.constant 0 : i32
    %dma_wait3A_115 = arith.constant 0 : i32
    %dma_wait3A_116 = tpu.memref_slice %arg6[%dma_wait3A_114, %dma_wait3A_115] : memref<819200x128xf32, #tpu.memory_space<hbm>> -> memref<128x128xf32, #tpu.memory_space<hbm>>
    %dma_wait3A_117 = arith.constant 0 : i32
    %dma_wait3A_118 = arith.constant 0 : i32
    %dma_wait3A_119 = tpu.memref_slice %arg6[%dma_wait3A_117, %dma_wait3A_118] : memref<819200x128xf32, #tpu.memory_space<hbm>> -> memref<128x128xf32, #tpu.memory_space<hbm>>
    %dma_wait3A_120 = arith.constant 0 : i32
    %dma_wait3A_121 = arith.constant 0 : i32
    %dma_wait3A_122 = tpu.memref_slice %arg9[%dma_wait3A_120, %dma_wait3A_121] : memref<640x128xf32, #tpu.memory_space<vmem>> -> memref<128x128xf32, #tpu.memory_space<vmem>>
    tpu.wait_dma2 semaphore(%arg31 : memref<!tpu.dma_semaphore, #tpu.memory_space<semaphore_mem>>) src(%dma_wait3A_122 : memref<128x128xf32, #tpu.memory_space<vmem>>) dst(%dma_wait3A_119 : memref<128x128xf32, #tpu.memory_space<hbm>>)
    %dma_wait3A_123 = arith.constant 128 : i32
    %dma_wait3A_124 = arith.constant 0 : i32
    %dma_wait3A_125 = tpu.memref_slice %arg9[%dma_wait3A_123, %dma_wait3A_124] : memref<640x128xf32, #tpu.memory_space<vmem>> -> memref<128x128xf32, #tpu.memory_space<vmem>>
    %dma_wait3A_126 = arith.constant 0 : i32
    %dma_wait3A_127 = arith.constant 0 : i32
    %dma_wait3A_128 = tpu.memref_slice %arg6[%dma_wait3A_126, %dma_wait3A_127] : memref<819200x128xf32, #tpu.memory_space<hbm>> -> memref<128x128xf32, #tpu.memory_space<hbm>>
    %dma_wait3A_129 = arith.constant 0 : i32
    %dma_wait3A_130 = arith.constant 0 : i32
    %dma_wait3A_131 = tpu.memref_slice %arg6[%dma_wait3A_129, %dma_wait3A_130] : memref<819200x128xf32, #tpu.memory_space<hbm>> -> memref<128x128xf32, #tpu.memory_space<hbm>>
    %dma_wait3A_132 = arith.constant 128 : i32
    %dma_wait3A_133 = arith.constant 0 : i32
    %dma_wait3A_134 = tpu.memref_slice %arg9[%dma_wait3A_132, %dma_wait3A_133] : memref<640x128xf32, #tpu.memory_space<vmem>> -> memref<128x128xf32, #tpu.memory_space<vmem>>
    tpu.wait_dma2 semaphore(%arg32 : memref<!tpu.dma_semaphore, #tpu.memory_space<semaphore_mem>>) src(%dma_wait3A_134 : memref<128x128xf32, #tpu.memory_space<vmem>>) dst(%dma_wait3A_131 : memref<128x128xf32, #tpu.memory_space<hbm>>)
    %dma_wait3A_135 = arith.constant 256 : i32
    %dma_wait3A_136 = arith.constant 0 : i32
    %dma_wait3A_137 = tpu.memref_slice %arg9[%dma_wait3A_135, %dma_wait3A_136] : memref<640x128xf32, #tpu.memory_space<vmem>> -> memref<128x128xf32, #tpu.memory_space<vmem>>
    %dma_wait3A_138 = arith.constant 0 : i32
    %dma_wait3A_139 = arith.constant 0 : i32
    %dma_wait3A_140 = tpu.memref_slice %arg6[%dma_wait3A_138, %dma_wait3A_139] : memref<819200x128xf32, #tpu.memory_space<hbm>> -> memref<128x128xf32, #tpu.memory_space<hbm>>
    %dma_wait3A_141 = arith.constant 0 : i32
    %dma_wait3A_142 = arith.constant 0 : i32
    %dma_wait3A_143 = tpu.memref_slice %arg6[%dma_wait3A_141, %dma_wait3A_142] : memref<819200x128xf32, #tpu.memory_space<hbm>> -> memref<128x128xf32, #tpu.memory_space<hbm>>
    %dma_wait3A_144 = arith.constant 256 : i32
    %dma_wait3A_145 = arith.constant 0 : i32
    %dma_wait3A_146 = tpu.memref_slice %arg9[%dma_wait3A_144, %dma_wait3A_145] : memref<640x128xf32, #tpu.memory_space<vmem>> -> memref<128x128xf32, #tpu.memory_space<vmem>>
    tpu.wait_dma2 semaphore(%arg33 : memref<!tpu.dma_semaphore, #tpu.memory_space<semaphore_mem>>) src(%dma_wait3A_146 : memref<128x128xf32, #tpu.memory_space<vmem>>) dst(%dma_wait3A_143 : memref<128x128xf32, #tpu.memory_space<hbm>>)
    %dma_wait3A_147 = arith.constant 384 : i32
    %dma_wait3A_148 = arith.constant 0 : i32
    %dma_wait3A_149 = tpu.memref_slice %arg9[%dma_wait3A_147, %dma_wait3A_148] : memref<640x128xf32, #tpu.memory_space<vmem>> -> memref<128x128xf32, #tpu.memory_space<vmem>>
    %dma_wait3A_150 = arith.constant 0 : i32
    %dma_wait3A_151 = arith.constant 0 : i32
    %dma_wait3A_152 = tpu.memref_slice %arg6[%dma_wait3A_150, %dma_wait3A_151] : memref<819200x128xf32, #tpu.memory_space<hbm>> -> memref<128x128xf32, #tpu.memory_space<hbm>>
    %dma_wait3A_153 = arith.constant 0 : i32
    %dma_wait3A_154 = arith.constant 0 : i32
    %dma_wait3A_155 = tpu.memref_slice %arg6[%dma_wait3A_153, %dma_wait3A_154] : memref<819200x128xf32, #tpu.memory_space<hbm>> -> memref<128x128xf32, #tpu.memory_space<hbm>>
    %dma_wait3A_156 = arith.constant 384 : i32
    %dma_wait3A_157 = arith.constant 0 : i32
    %dma_wait3A_158 = tpu.memref_slice %arg9[%dma_wait3A_156, %dma_wait3A_157] : memref<640x128xf32, #tpu.memory_space<vmem>> -> memref<128x128xf32, #tpu.memory_space<vmem>>
    tpu.wait_dma2 semaphore(%arg34 : memref<!tpu.dma_semaphore, #tpu.memory_space<semaphore_mem>>) src(%dma_wait3A_158 : memref<128x128xf32, #tpu.memory_space<vmem>>) dst(%dma_wait3A_155 : memref<128x128xf32, #tpu.memory_space<hbm>>)
    %dma_wait3A_159 = arith.constant 512 : i32
    %dma_wait3A_160 = arith.constant 0 : i32
    %dma_wait3A_161 = tpu.memref_slice %arg9[%dma_wait3A_159, %dma_wait3A_160] : memref<640x128xf32, #tpu.memory_space<vmem>> -> memref<128x128xf32, #tpu.memory_space<vmem>>
    %dma_wait3A_162 = arith.constant 0 : i32
    %dma_wait3A_163 = arith.constant 0 : i32
    %dma_wait3A_164 = tpu.memref_slice %arg6[%dma_wait3A_162, %dma_wait3A_163] : memref<819200x128xf32, #tpu.memory_space<hbm>> -> memref<128x128xf32, #tpu.memory_space<hbm>>
    %dma_wait3A_165 = arith.constant 0 : i32
    %dma_wait3A_166 = arith.constant 0 : i32
    %dma_wait3A_167 = tpu.memref_slice %arg6[%dma_wait3A_165, %dma_wait3A_166] : memref<819200x128xf32, #tpu.memory_space<hbm>> -> memref<128x128xf32, #tpu.memory_space<hbm>>
    %dma_wait3A_168 = arith.constant 512 : i32
    %dma_wait3A_169 = arith.constant 0 : i32
    %dma_wait3A_170 = tpu.memref_slice %arg9[%dma_wait3A_168, %dma_wait3A_169] : memref<640x128xf32, #tpu.memory_space<vmem>> -> memref<128x128xf32, #tpu.memory_space<vmem>>
    tpu.wait_dma2 semaphore(%arg35 : memref<!tpu.dma_semaphore, #tpu.memory_space<semaphore_mem>>) src(%dma_wait3A_170 : memref<128x128xf32, #tpu.memory_space<vmem>>) dst(%dma_wait3A_167 : memref<128x128xf32, #tpu.memory_space<hbm>>)
    return
  }
}

</mosaic_0001>

<sc_bundles>
// kernel: _embed_add.3.cloned.1.call-start
scs
__scs_entry_jumppad:
0x0: {  	(pc) =	sbr.rel $0x88, $3  }
0x1: {  	(tag) =	ssettag $0x0;
	lr =	simm.s32 $0x1  }
0x2: {  	[smem:$0x3F9E] =	sst lr;
	_ =	strace $0xD0000000  }
0x3: {  	_ = 	snop  }
0x4: {  	_ = 	snop  }
0x5: {  	_ = 	snop  }
0x6: {  	_ = 	snop  }
0x7: {  	_ = 	snop  }
__scs_overlays_trampoline_lowered:
0x8: {  	[smem:$0x3FAD] =	sst s0  }
0x9: {  	[smem:$0x3FAE] =	sst s1  }
0xa: {  	[smem:$0x3FAF] =	sst s2  }
0xb: {  	[smem:$0x3FB0] =	sst s3  }
0xc: {  	[smem:$0x3FB1] =	sst s4  }
0xd: {  	[smem:$0x3FB2] =	sst s5  }
0xe: {  	[smem:$0x3FB3] =	sst s6  }
0xf: {  	[smem:$0x3FB4] =	sst s7  }
0x10: {  	[smem:$0x3FB5] =	sst s8  }
0x11: {  	[smem:$0x3FB6] =	sst s9;
	s0 =	simm.s32 @!p0 $0x0  }
0x12: {  	s1 =	sld [smem:$0x3F9C];
	s0 =	simm.s32 @p0 $0x1  }
0x13: {  	[smem:$0x3FB7] =	sst s0;
	s0 =	simm.s32 @!p1 $0x0  }
0x14: {  	s2 =	sld [smem:$0x3F9B];
	s0 =	simm.s32 @p1 $0x1  }
0x15: {  	[smem:$0x3FB8] =	sst s0;
	s0 =	simm.s32 @!p2 $0x0  }
0x16: {  	s3 =	sld [smem:$0x3FDB];
	s0 =	simm.s32 @p2 $0x1  }
0x17: {  	s4 =	simm.s32 $0x1BF5;
	[smem:$0x3FBA] =	sst s0  }
0x18: {  	s0 =	sld [smem:$0x3F9D];
	_ =	swait.ge [sflag:s4], $0x0  }
0x19: {  	s7 =	sld [smem:$0x3F9E]  }
0x1a: {  	s8 =	sadd.s32 $0xFFFFE003, lr  }
0x1b: {  	s9 =	sadd.s32 $0xFFFFFEF7, lr;
	s5 =	simm.s32 $0xFFFFFFFF;
	p2 =	slt.u32 s8, $0xFFFFF086  }
0x1c: {  	p1 =	slt.u32 s9, $0xF7A;
	s5 =	simm.s32 @!p2 $0x0  }
0x1d: {  	s5 =	simm.s32 @p1 $0x1;
	p0 =	seq.s32 s7, s2  }
0x1e: {  	s7 =	smul.u32 @!p0 $0xF7A, s2;
	p2 =	seq.s32 @!p0 s5, $0x0  }
0x1f: {  	s9 =	smul.u32 $0xF7A, s1;
	s8 =	simm.s32 @!p0 $0x1BF5;
	p2 =	por !p2, p0  }
0x20: {  	[sflag:s8] =	ssyncset.s32 @!p0 $0xFFFFF086;
	s6 =	sadd.s32 @!p0 s3, s7;
	s7 =	simm.s32 @!p0 $0x108  }
0x21: {  	s3 =	sadd.s32 s3, s9;
	s6 =	sadd.s32 @!p0 $0x88, s6;
	s7 =	simm.s32 @p2 $0x1082  }
0x22: {  	[simem:s7], [sflag:s8] =	dma.local @!p0 [hbm:s6], $0xF7A  }
0x23: {  	s9 =	sor.u32 $0xD0000000, s2;
	s6 =	simm.s32 $0x108;
	_ =	swait.ge @!p0 [sflag:s8], $0x0  }
0x24: {  	s3 =	sadd.s32 $0x88, s3;
	s6 =	simm.s32 @!p1 $0x1082;
	[sflag:s4] =	ssyncset.s32 $0xFFFFF086  }
0x25: {  	[simem:s6], [sflag:s4] =	dma.local [hbm:s3], $0xF7A  }
0x26: {  	[smem:$0x3F9E] =	sst s1;
	(tag) =	ssettag s2;
	_ =	strace s9  }
0x27: {  	s1 =	sld [smem:$0x3FAE]  }
0x28: {  	s2 =	sld [smem:$0x3FAF]  }
0x29: {  	s4 =	sld [smem:$0x3FB1]  }
0x2a: {  	p0 =	seq.s32 s5, $0x0;
	s5 =	sld [smem:$0x3FB2]  }
0x2b: {  	s6 =	sld [smem:$0x3FB3]  }
0x2c: {  	s7 =	sld [smem:$0x3FB4]  }
0x2d: {  	s3 =	simm.s32 $0x108;
	s8 =	sld [smem:$0x3FB5]  }
0x2e: {  	s3 =	simm.s32 @!p0 $0x1082;
	s9 =	sld [smem:$0x3FB6]  }
0x2f: {  	lr =	sadd.s32 s0, s3;
	s0 =	sld [smem:$0x3FAD]  }
0x30: {  	s3 =	sld [smem:$0x3FB0]  }
0x31: {  	[smem:$0x3FB9] =	sst s10  }
0x32: {  	s10 =	sld [smem:$0x3FB7];
	_ =	sdelay $0x3  }
0x33: {  	p0 =	seq.s32 s10, $0x1;
	s10 =	sld [smem:$0x3FB9];
	_ =	sdelay $0x3  }
0x34: {  	[smem:$0x3FB9] =	sst s10  }
0x35: {  	s10 =	sld [smem:$0x3FB8];
	_ =	sdelay $0x3  }
0x36: {  	p1 =	seq.s32 s10, $0x1;
	s10 =	sld [smem:$0x3FB9];
	_ =	sdelay $0x3  }
0x37: {  	[smem:$0x3FB9] =	sst s10  }
0x38: {  	s10 =	sld [smem:$0x3FBA]  }
0x39: {  	_ = 	snop;
	(pc) =	sbr.ind lr, $3  }
0x3a: {  	_ = 	snop  }
0x3b: {  	_ = 	snop  }
0x3c: {  	p2 =	seq.s32 s10, $0x1;
	s10 =	sld [smem:$0x3FB9]  }
0x3d: {  	_ =	shalt  }
0x3e: {  	_ =	shalt  }
0x3f: {  	_ =	shalt  }
0x40: {  	_ =	shalt  }
0x41: {  	_ =	shalt  }
0x42: {  	_ =	shalt  }
0x43: {  	_ =	shalt  }
0x44: {  	_ =	shalt  }
0x45: {  	_ =	shalt  }
0x46: {  	_ =	shalt  }
0x47: {  	_ =	shalt  }
0x48: {  	_ =	shalt  }
0x49: {  	_ =	shalt  }
0x4a: {  	_ =	shalt  }
0x4b: {  	_ =	shalt  }
0x4c: {  	_ =	shalt  }
0x4d: {  	_ =	shalt  }
0x4e: {  	_ =	shalt  }
0x4f: {  	_ =	shalt  }
0x50: {  	_ =	shalt  }
0x51: {  	_ =	shalt  }
0x52: {  	_ =	shalt  }
0x53: {  	_ =	shalt  }
0x54: {  	_ =	shalt  }
0x55: {  	_ =	shalt  }
0x56: {  	_ =	shalt  }
0x57: {  	_ =	shalt  }
0x58: {  	_ =	shalt  }
0x59: {  	_ =	shalt  }
0x5a: {  	_ =	shalt  }
0x5b: {  	_ =	shalt  }
0x5c: {  	_ =	shalt  }
0x5d: {  	_ =	shalt  }
0x5e: {  	_ =	shalt  }
0x5f: {  	_ =	shalt  }
0x60: {  	_ =	shalt  }
0x61: {  	_ =	shalt  }
0x62: {  	_ =	shalt  }
0x63: {  	_ =	shalt  }
0x64: {  	_ =	shalt  }
0x65: {  	_ =	shalt  }
0x66: {  	_ =	shalt  }
0x67: {  	_ =	shalt  }
0x68: {  	_ =	shalt  }
0x69: {  	_ =	shalt  }
0x6a: {  	_ =	shalt  }
0x6b: {  	_ =	shalt  }
0x6c: {  	_ =	shalt  }
0x6d: {  	_ =	shalt  }
0x6e: {  	_ =	shalt  }
0x6f: {  	_ =	shalt  }
0x70: {  	_ =	shalt  }
0x71: {  	_ =	shalt  }
0x72: {  	_ =	shalt  }
0x73: {  	_ =	shalt  }
0x74: {  	_ =	shalt  }
0x75: {  	_ =	shalt  }
0x76: {  	_ =	shalt  }
0x77: {  	_ =	shalt  }
0x78: {  	_ =	shalt  }
0x79: {  	_ =	shalt  }
0x7a: {  	_ =	shalt  }
0x7b: {  	_ =	shalt  }
0x7c: {  	_ =	shalt  }
0x7d: {  	_ =	shalt  }
0x7e: {  	_ =	shalt  }
0x7f: {  	_ =	shalt  }
0x80: {  	_ =	shalt  }
0x81: {  	_ =	shalt  }
0x82: {  	_ =	shalt  }
0x83: {  	_ =	shalt  }
0x84: {  	_ =	shalt  }
0x85: {  	_ =	shalt  }
0x86: {  	_ =	shalt  }
0x87: {  	_ =	shalt  }
.Lfunc_end0:
.L_simem_size_0:
called_computation_lowered:
.L_overlay_start_0:
0x88: {  	s2 =	sld [smem:$0x3FD9]  }
0x89: {  	s3 =	sld [smem:$0x3FFE];
	_ =	sdelay $0x1  }
0x8a: {  	s1 =	srdreg.scid  }
0x8b: {  	s0 =	sand.u32 $0x1, s1  }
0x8c: {  	s17 =	sshll.u32 s0, $0xA;
	s2 =	sadd.s32 s3, s2  }
0x8d: {  	s2 =	sadd.s32 s2, s17  }
0x8e: {  	[smem:$0x3FC5] =	sst s2  }
0x8f: {  	_ = 	snop  }
0x90: {  	s2 =	sld [smem:$0x3FC9]  }
0x91: {  	s18 =	sld [smem:$0x3FC8]  }
0x92: {  	s4 =	sld [smem:$0x3FC7]  }
0x93: {  	s5 =	sld [smem:$0x3FD0];
	(tm) =	ssettm $0x1  }
0x94: {  	s6 =	sld [smem:$0x3FFB];
	_ =	sdelay $0x3  }
0x95: {  	_ =	strace s6  }
0x96: {  	s6 =	sld [smem:$0x3FFC];
	_ =	sdelay $0x3  }
0x97: {  	_ =	strace s6  }
0x98: {  	s6 =	sld [smem:$0x3FFD];
	_ =	sdelay $0x3  }
0x99: {  	_ =	strace s6  }
0x9a: {  	_ =	strace $0x8FFFFFFF  }
0x9b: {  	s19 =	sld [smem:$0x3FDB];
	_ =	sdelay $0x1  }
0x9c: {  	s7 =	simm.s32 $_scs_section_size  }
0x9d: {  	s8 =	simm.s32 $_size__tile_overlayer_lowered;
	s9 =	simm.s32 $_tile_overlayer_lowered  }
0x9e: {  	s22 =	simm.s32 $0x1BFF;
	s21 =	sshll.u32 s9, $0x1;
	s6 =	sadd.s32 s7, s19  }
0x9f: {  	s10 =	simm.s32 $0x0;
	s20 =	sshll.u32 s8, $0x1;
	s8 =	sadd.s32 s21, s6  }
0xa0: {  	[timem:s10], [sflag:s22] =	dma.local [hbm:s8], s20  }
0xa1: {  	_ =	swait.ge [sflag:s22], s20  }
0xa2: {  	s7 =	ssub.s32 $0x0, s20;
	[sflag:s22] =	ssyncset.done $0x0  }
0xa3: {  	[sflag:s22] =	ssyncadd.s32 s7;
	_ =	sdelay $0x1  }
0xa4: {  	s23 =	simm.s32 $0x1B8B  }
0xa5: {  	_ =	swait.ge [sflag:s23], $0x1  }
0xa6: {  	[sflag:s23] =	ssyncset.done $0x0  }
0xa7: {  	s25 =	simm.s32 $0x1B8E;
	s24 =	sld [smem:$0x3FFE];
	[sflag:s23] =	ssyncadd.s32 $0xFFFFFFFF  }
0xa8: {  	s26 =	simm.s32 $execute0_lowered;
	[smem:$0x3FD2] =	sst s25  }
0xa9: {  	s8 =	sshll.u32 s26, $0x1;
	_ =	strace $0x80000046;
	[dreg:$0x1] =	wrdreg $0xFFFFFFFF  }
0xaa: {  	s28 =	simm.s32 $_size_execute0_lowered;
	s6 =	sadd.s32 s6, s8;
	[dreg:$0x0] =	wrdreg $0x0  }
0xab: {  	s8 =	sshll.u32 s28, $0x1;
	[dreg:$0x2] =	wrdreg s6  }
0xac: {  	[dreg:$0x3] =	wrdreg s8  }
0xad: {  	[dreg:$0x4] =	wrdreg $0xC0  }
0xae: {  	_ =	task [dreg:s10], $0x5FFFF  }
0xaf: {  	[dreg:$0x1] =	wrdreg $0xFFFFFFFF  }
0xb0: {  	[dreg:$0x0] =	wrdreg $0x60  }
0xb1: {  	[dreg:$0x2] =	wrdreg s2  }
0xb2: {  	[dreg:$0x3] =	wrdreg s18  }
0xb3: {  	[dreg:$0x4] =	wrdreg s4  }
0xb4: {  	[dreg:$0x5] =	wrdreg s24  }
0xb5: {  	[dreg:$0x6] =	wrdreg s5  }
0xb6: {  	[dreg:$0x7] =	wrdreg $0x145000  }
0xb7: {  	[dreg:$0x8] =	wrdreg $0x9  }
0xb8: {  	_ =	task.clear_ibuf [dreg:s10], $0x9FFFF;
	_ =	strace $0x90000046  }
0xb9: {  	s29 =	simm.s32 $0x9;
	_ =	strace $0x80000048  }
0xba: {  	_ =	swait.ge [sflag:s29], $0x1  }
0xbb: {  	[sflag:s29] =	ssyncadd.s32 $0xFFFFFFFF  }
0xbc: {  	_ =	strace $0x90000048  }
0xbd: {  	_ =	sfence  }
0xbe: {  	s30 =	sld [smem:$0x0];
	_ =	sdelay $0x2  }
0xbf: {  	s31 =	sshll.u32 s1, $0xD;
	s1 =	sshrl.u32 s1, $0x2  }
0xc0: {  	s3 =	sand.u32 $0x4000, s31;
	s1 =	sadd.s32 s1, s30  }
0xc1: {  	s0 =	sor.u32 s3, s0;
	s1 =	sshll.u32 s1, $0x11  }
0xc2: {  	s0 =	sor.u32 s1, s0  }
0xc3: {  	s0 =	sadd.s32 $0x8F2B, s0  }
0xc4: {  	[sflag:s0] =	ssyncadd.remote.s32 $0x1  }
0xc5: {  	_ =	sfence.sel $0xFFFF  }
0xc6: {  	[dreg:$0x0] =	wrdreg $0xFFFFFFFF;
	(pc) =	sbr.abs _section_cstart, $3  }
0xc7: {  	[dreg:$0x1] =	wrdreg $0xFFFFFFFF  }
0xc8: {  	_ =	task.clear_ibuf [dreg:s10], $0x2FFFF;
	_ =	strace $0x9FFFFFFF  }
0xc9: {  	(tm) =	ssettm $0x7FFFFFFF  }
tec
execute0_lowered:
.L_overlay_start_1:
0x0: {  	(tag) =	ssettag $0x1  }
0x1: {  	s1 =	rddreg [dreg:$0x0]  }
0x2: {  	s2 =	rddreg [dreg:$0x1]  }
0x3: {  	s0 =	rddreg [dreg:$0x2]  }
0x4: {  	s5 =	rddreg [dreg:$0x3];
	s4 =	srdreg.scid  }
0x5: {  	s6 =	stileid.u32;
	s3 =	rddreg [dreg:$0x5]  }
0x6: {  	s28 =	simm.s32 $0x11;
	s29 =	simm.s32 $0x13;
	s30 =	simm.s32 $0x14  }
0x7: {  	s7 =	sand.u32 $0x1, s4;
	s8 =	sshll.u32 s6, $0x1;
	s16 =	smul.u32 $0x190, s6  }
0x8: {  	s4 =	simm.s32 $0x0;
	s23 =	smul.u32 $0xC8000, s6;
	s8 =	sor.u32 s7, s8  }
0x9: {  	s5 =	sadd.s32 $0x400, s5;
	[smem:$0x7FF] =	sst s4;
	s8 =	smul.u32 $0xC80, s8  }
0xa: {  	p0 =	sne.s32 s6, $0x0;
	s9 =	ssub.s32 $0x2, s7;
	_ =	strace $0x80000047  }
0xb: {  	s10 =	sshrl.u32 s9, $0x1;
	[dreg:$0x7] =	wrdreg s5;
	s12 =	sadd.s32 s1, s8  }
0xc: {  	s31 =	ssub.s32 s9, s10;
	s13 =	sadd.s32 s2, s8;
	[dreg:$0x8] =	wrdreg s12  }
0xd: {  	s11 =	sor.u32 $0x10, s8;
	s5 =	smax.u32 s31, $0x1;
	[dreg:$0x9] =	wrdreg s13  }
0xe: {  	s10 =	simm.s32 $0x4500;
	s14 =	sadd.s32 s1, s11;
	[dreg:$0x12] =	wrdreg s5  }
0xf: {  	s15 =	sor.u32 $0x20, s8;
	s9 =	sadd.s32 s2, s11;
	[dreg:$0xa] =	wrdreg s14  }
0x10: {  	s17 =	sor.u32 $0x30, s8;
	s11 =	sadd.s32 s1, s15;
	[dreg:$0xb] =	wrdreg s9  }
0x11: {  	s8 =	sor.u32 $0x40, s8;
	s18 =	sadd.s32 s1, s17;
	[dreg:$0xc] =	wrdreg s11  }
0x12: {  	s12 =	smul.u32 $0xC8, s7;
	s19 =	sadd.s32 s2, s17;
	[dreg:$0xe] =	wrdreg s18  }
0x13: {  	s20 =	sadd.s32 s1, s8;
	s8 =	sadd.s32 s2, s8;
	[dreg:$0xf] =	wrdreg s19  }
0x14: {  	s7 =	smul.u32 $0x64000, s7;
	s5 =	simm.s32 $0x0;
	[dreg:$0x10] =	wrdreg s20  }
0x15: {  	s13 =	simm.s32 $0xC500;
	s9 =	sadd.s32 s2, s15;
	[dreg:$0x11] =	wrdreg s8  }
0x16: {  	s11 =	simm.s32 $0x8500;
	s14 =	simm.s32 $0x5;
	s15 =	simm.s32 $0xA  }
0x17: {  	s8 =	simm.s32 $0xE;
	[dreg:$0xd] =	wrdreg s9;
	s21 =	sadd.s32 s12, s16  }
0x18: {  	s31 =	sadd.s32 s7, s23;
	s9 =	simm.s32 $0x480;
	s16 =	simm.s32 $0x10500  }
0x19: {  	s23 =	simm.s32 $0x12;
	s12 =	simm.s32 $0x8500;
	s22 =	sshll.u32 s21, $0x4  }
.Ltmp0:
0x1a: {  	s25 =	sshll.u32 s21, $0xB;
	[dreg:$0x16] =	wrdreg s31;
	(pc) =	sbr.rel .LBB2_1-.Ltmp0, $4  }
0x1b: {  	s21 =	simm.s32 $0x200;
	s24 =	sadd.s32 $0x80, s22;
	[dreg:$0x13] =	wrdreg s25  }
0x1c: {  	s26 =	sadd.s32 s22, s2;
	s25 =	simm.s32 $0x80;
	s17 =	sadd.s32 s24, s1  }
0x1d: {  	s18 =	sadd.s32 s24, s2;
	s1 =	sadd.s32 s22, s1;
	[dreg:$0x15] =	wrdreg s26  }
0x1e: {  	s24 =	simm.s32 $0xD;
	s26 =	simm.s32 $0xF;
	[dreg:$0x14] =	wrdreg s1  }
.LBB2_4:
0x1f: {  	s1 =	simm.s32 $0x15  }
0x20: {  	_ =	swait.ge [sflag:s1], $0x4000  }
0x21: {  	[sflag:s1] =	ssyncset.done $0x0  }
0x22: {  	s20 =	simm.s32 $0x16;
	[sflag:s1] =	ssyncadd.s32 $0xFFFFC000  }
0x23: {  	_ =	swait.ge [sflag:s20], $0x4000  }
0x24: {  	[sflag:s20] =	ssyncset.done $0x0  }
0x25: {  	s21 =	simm.s32 $0x17;
	[sflag:s20] =	ssyncadd.s32 $0xFFFFC000  }
0x26: {  	_ =	swait.ge [sflag:s21], $0x4000  }
0x27: {  	[sflag:s21] =	ssyncset.done $0x0  }
0x28: {  	s22 =	simm.s32 $0x18;
	[sflag:s21] =	ssyncadd.s32 $0xFFFFC000  }
0x29: {  	_ =	swait.ge [sflag:s22], $0x4000  }
0x2a: {  	[sflag:s22] =	ssyncset.done $0x0  }
0x2b: {  	s2 =	simm.s32 $0x19;
	[sflag:s22] =	ssyncadd.s32 $0xFFFFC000  }
0x2c: {  	_ =	swait.ge [sflag:s2], $0x4000  }
0x2d: {  	s5 =	rddreg [dreg:$0x17]  }
0x2e: {  	s31 =	rddreg [dreg:$0x12];
	s5 =	sadd.s32 $0x1, s5  }
0x2f: {  	p1 =	sne.s32 s5, s31  }
.Ltmp1:
0x30: {  	_ = 	snop;
	(pc) =	sbr.rel @!p1 .LBB2_5-.Ltmp1, $3  }
0x31: {  	_ =	sdelay $0x1  }
0x32: {  	[sflag:s2] =	ssyncset.done $0x0  }
0x33: {  	s9 =	simm.s32 $0x480;
	s21 =	simm.s32 $0x200;
	[sflag:s2] =	ssyncadd.s32 $0xFFFFC000  }
.LBB2_1:
0x34: {  	[dreg:$0x17] =	wrdreg s5  }
0x35: {  	s2 =	sshrl.u32 @!p0 s3, $0x3;
	s5 =	simm.s32 @!p0 $0x1C1A;
	s1 =	rddreg [dreg:$0x7]  }
0x36: {  	[spmem:s2], [sflag:s5] =	dma.local @!p0 [hbm:s1], $0x2580  }
0x37: {  	s2 =	simm.s32 @!p0 $0x1A  }
0x38: {  	_ =	swait.ge @!p0 [sflag:s2], $0x2580  }
0x39: {  	[sflag:s2] =	ssyncset.done @!p0 $0x0  }
0x3a: {  	[sflag:s2] =	ssyncadd.s32 @!p0 $0xFFFFDA80  }
0x3b: {  	[bflag:$0x0] =	sbarrier.arrive $0xFFFF  }
0x3c: {  	s2 =	simm.s32 $0x1A;
	s5 =	rddreg [dreg:$0x8]  }
0x3d: {  	[tilespmem:s4], [sflag:$0x1A] =	stream.linear.gather [hbm4b:s5+s4], $0x80, $0x38;
	[tilespmem:$0x157C0] =	vst v63  }
0x3e: {  	_ =	swait.ge [sflag:s2], $0x80  }
0x3f: {  	[sflag:s2] =	ssyncset.done $0x0  }
0x40: {  	s5 =	simm.s32 $0x280;
	s6 =	rddreg [dreg:$0x9];
	[sflag:s2] =	ssyncadd.s32 $0xFFFFFF80  }
0x41: {  	[tilespmem:s5], [sflag:$0x1A] =	stream.linear.gather [hbm4b:s6+s4], $0x80, $0x38;
	[tilespmem:$0x157C0] =	vst v63  }
0x42: {  	_ =	swait.ge [sflag:s2], $0x80  }
0x43: {  	[sflag:s2] =	ssyncset.done $0x0  }
0x44: {  	s7 =	rddreg [dreg:$0xa];
	[sflag:s2] =	ssyncadd.s32 $0xFFFFFF80  }
0x45: {  	[tilespmem:s25], [sflag:$0x1A] =	stream.linear.gather [hbm4b:s7+s4], $0x80, $0x38;
	[tilespmem:$0x157C0] =	vst v63  }
0x46: {  	_ =	swait.ge [sflag:s2], $0x80  }
0x47: {  	[sflag:s2] =	ssyncset.done $0x0  }
0x48: {  	s6 =	simm.s32 $0x300;
	s19 =	rddreg [dreg:$0xb];
	[sflag:s2] =	ssyncadd.s32 $0xFFFFFF80  }
0x49: {  	[tilespmem:s6], [sflag:$0x1A] =	stream.linear.gather [hbm4b:s19+s4], $0x80, $0x38;
	[tilespmem:$0x157C0] =	vst v63  }
0x4a: {  	_ =	swait.ge [sflag:s2], $0x80  }
0x4b: {  	[sflag:s2] =	ssyncset.done $0x0  }
0x4c: {  	s6 =	simm.s32 $0x100;
	s20 =	rddreg [dreg:$0xc];
	[sflag:s2] =	ssyncadd.s32 $0xFFFFFF80  }
0x4d: {  	[tilespmem:s6], [sflag:$0x1A] =	stream.linear.gather [hbm4b:s20+s4], $0x80, $0x38;
	[tilespmem:$0x157C0] =	vst v63  }
0x4e: {  	_ =	swait.ge [sflag:s2], $0x80  }
0x4f: {  	[sflag:s2] =	ssyncset.done $0x0  }
0x50: {  	s7 =	simm.s32 $0x380;
	s22 =	rddreg [dreg:$0xd];
	[sflag:s2] =	ssyncadd.s32 $0xFFFFFF80  }
0x51: {  	[tilespmem:s7], [sflag:$0x1A] =	stream.linear.gather [hbm4b:s22+s4], $0x80, $0x38;
	[tilespmem:$0x157C0] =	vst v63  }
0x52: {  	_ =	swait.ge [sflag:s2], $0x80  }
0x53: {  	[sflag:s2] =	ssyncset.done $0x0  }
0x54: {  	s19 =	simm.s32 $0x180;
	s7 =	rddreg [dreg:$0xe];
	[sflag:s2] =	ssyncadd.s32 $0xFFFFFF80  }
0x55: {  	[tilespmem:s19], [sflag:$0x4] =	stream.linear.gather [hbm4b:s7+s4], $0x80, $0x38;
	[tilespmem:$0x157C0] =	vst v63  }
0x56: {  	s22 =	simm.s32 $0x400;
	s20 =	rddreg [dreg:$0xf]  }
0x57: {  	[tilespmem:s22], [sflag:$0x9] =	stream.linear.gather [hbm4b:s20+s4], $0x80, $0x38;
	[tilespmem:$0x157C0] =	vst v63  }
0x58: {  	s7 =	rddreg [dreg:$0x10]  }
0x59: {  	[tilespmem:s21], [sflag:$0x5] =	stream.linear.gather [hbm4b:s7+s4], $0x80, $0x38;
	[tilespmem:$0x157C0] =	vst v63  }
0x5a: {  	s19 =	rddreg [dreg:$0x11]  }
0x5b: {  	[tilespmem:s9], [sflag:$0xA] =	stream.linear.gather [hbm4b:s19+s4], $0x80, $0x38;
	[tilespmem:$0x157C0] =	vst v63  }
0x5c: {  	s20 =	simm.s32 $0x500  }
0x5d: {  	[tilespmem:s20], [sflag:$0xB] =	stream.indirect.gather [hbm4b:s0+s25], $0x80, s4, s25, $0xb8;
	[tilespmem:$0x157C0] =	vst v63  }
0x5e: {  	_ = 	snop  }
0x5f: {  	[tilespmem:s10], [sflag:$0xC] =	stream.indirect.gather [hbm4b:s0+s25], $0x80, s25, s25, $0xb8;
	[tilespmem:$0x157C0] =	vst v63  }
0x60: {  	s22 =	simm.s32 $0xB  }
0x61: {  	[tilespmem:s11], [sflag:$0xD] =	stream.indirect.gather [hbm4b:s0+s25], $0x80, s6, s25, $0xb8;
	[tilespmem:$0x157C0] =	vst v63  }
0x62: {  	_ =	swait.ge [sflag:s22], $0x4000  }
0x63: {  	[sflag:s22] =	ssyncset.done $0x0  }
0x64: {  	[sflag:s22] =	ssyncadd.s32 $0xFFFFC000  }
0x65: {  	[tilespmem:s20], [sflag:$0x10] =	stream.indirect.gather.add.f32 [spmem:s3], $0x80, s5, s25, $0xb8;
	[tilespmem:$0x157C0] =	vst v63  }
0x66: {  	s31 =	rddreg [dreg:$0x4];
	s5 =	simm.s32 $0x0  }
.LBB2_2:
0x67: {  	s1 =	simm.s32 $0x4  }
0x68: {  	_ =	swait.ge [sflag:s1], $0x80  }
0x69: {  	[sflag:s1] =	ssyncset.done $0x0  }
0x6a: {  	s9 =	simm.s32 $0x9;
	[sflag:s1] =	ssyncadd.s32 $0xFFFFFF80  }
0x6b: {  	_ =	swait.ge [sflag:s9], $0x80  }
0x6c: {  	p2 =	seq.s32 s5, $0x0;
	[sflag:s9] =	ssyncset.done $0x0  }
0x6d: {  	s2 =	simm.s32 @!p2 $0x18;
	[sflag:s9] =	ssyncadd.s32 $0xFFFFFF80  }
0x6e: {  	_ =	swait.ge @!p2 [sflag:s2], $0x4000  }
0x6f: {  	[sflag:s2] =	ssyncset.done @!p2 $0x0  }
0x70: {  	s10 =	simm.s32 $0x180;
	s11 =	simm.s32 $0xC;
	[sflag:s2] =	ssyncadd.s32 @!p2 $0xFFFFC000  }
0x71: {  	[tilespmem:s13], [sflag:$0xE] =	stream.indirect.gather [hbm4b:s0+s25], $0x80, s10, s25, $0xb8;
	[tilespmem:$0x157C0] =	vst v63  }
0x72: {  	_ =	swait.ge [sflag:s11], $0x4000  }
0x73: {  	s19 =	simm.s32 $0x300;
	[sflag:s11] =	ssyncset.done $0x0  }
0x74: {  	s7 =	simm.s32 $0x4500;
	s20 =	simm.s32 $0x10;
	[sflag:s11] =	ssyncadd.s32 $0xFFFFC000  }
0x75: {  	[tilespmem:s7], [sflag:$0x11] =	stream.indirect.gather.add.f32 [spmem:s3], $0x80, s19, s25, $0xb8;
	[tilespmem:$0x157C0] =	vst v63  }
0x76: {  	_ =	swait.ge [sflag:s20], $0x4000  }
0x77: {  	[sflag:s20] =	ssyncset.done $0x0;
	s22 =	rddreg [dreg:$0x16]  }
0x78: {  	s6 =	simm.s32 $0x500;
	[sflag:s20] =	ssyncadd.s32 $0xFFFFC000;
	s1 =	sadd.s32 s31, s22  }
0x79: {  	[hbm4b:s1+s4] =	stream.linear.scatter [tilespmem:s6], [sflag:$0x15], $0x4000, $0x38;
	[tilespmem:$0x157C0] =	vst v63  }
0x7a: {  	p1 =	seq.s32 s5, $0xC30;
	s1 =	rddreg [dreg:$0x14]  }
0x7b: {  	s1 =	sadd.s32 @!p1 s5, s1  }
0x7c: {  	s20 =	simm.s32 @!p1 $0x0;
	s2 =	sadd.s32 @!p1 $0x50, s1  }
0x7d: {  	[tilespmem:s20], [sflag:$0x1] =	stream.linear.gather @!p1 [hbm4b:s2+s20], $0x80, $0x38;
	[tilespmem:$0x157C0] =	vst v63  }
0x7e: {  	s2 =	rddreg [dreg:$0x15]  }
0x7f: {  	s6 =	sadd.s32 @!p1 s5, s2  }
0x80: {  	s19 =	simm.s32 @!p1 $0x280;
	s2 =	sadd.s32 @!p1 $0x50, s6  }
0x81: {  	[tilespmem:s19], [sflag:$0x6] =	stream.linear.gather @!p1 [hbm4b:s2+s20], $0x80, $0x38;
	[tilespmem:$0x157C0] =	vst v63  }
0x82: {  	_ =	swait.ge [sflag:s14], $0x80  }
0x83: {  	[sflag:s14] =	ssyncset.done $0x0  }
0x84: {  	[sflag:s14] =	ssyncadd.s32 $0xFFFFFF80  }
0x85: {  	_ =	swait.ge [sflag:s15], $0x80  }
0x86: {  	[sflag:s15] =	ssyncset.done $0x0  }
0x87: {  	s2 =	simm.s32 @!p2 $0x19;
	[sflag:s15] =	ssyncadd.s32 $0xFFFFFF80  }
0x88: {  	_ =	swait.ge @!p2 [sflag:s2], $0x4000  }
0x89: {  	[sflag:s2] =	ssyncset.done @!p2 $0x0  }
0x8a: {  	[sflag:s2] =	ssyncadd.s32 @!p2 $0xFFFFC000  }
0x8b: {  	[tilespmem:s16], [sflag:$0xF] =	stream.indirect.gather [hbm4b:s0+s25], $0x80, s21, s25, $0xb8;
	[tilespmem:$0x157C0] =	vst v63  }
0x8c: {  	_ =	swait.ge [sflag:s24], $0x4000  }
0x8d: {  	[sflag:s24] =	ssyncset.done $0x0  }
0x8e: {  	s9 =	simm.s32 $0x380;
	[sflag:s24] =	ssyncadd.s32 $0xFFFFC000  }
0x8f: {  	[tilespmem:s12], [sflag:$0x12] =	stream.indirect.gather.add.f32 [spmem:s3], $0x80, s9, s25, $0xb8;
	[tilespmem:$0x157C0] =	vst v63  }
0x90: {  	_ =	swait.ge [sflag:s28], $0x4000  }
0x91: {  	s10 =	rddreg [dreg:$0x13]  }
0x92: {  	[sflag:s28] =	ssyncset.done $0x0;
	s21 =	sadd.s32 s31, s10  }
0x93: {  	[sflag:s28] =	ssyncadd.s32 $0xFFFFC000;
	s2 =	sadd.s32 $0x800, s21  }
0x94: {  	[hbm4b:s2+s4] =	stream.linear.scatter [tilespmem:s7], [sflag:$0x16], $0x4000, $0x38;
	[tilespmem:$0x157C0] =	vst v63  }
0x95: {  	s22 =	simm.s32 @!p1 $0x80;
	s2 =	sadd.s32 @!p1 $0x60, s1  }
0x96: {  	[tilespmem:s22], [sflag:$0x2] =	stream.linear.gather @!p1 [hbm4b:s2+s20], $0x80, $0x38;
	[tilespmem:$0x157C0] =	vst v63  }
0x97: {  	s7 =	simm.s32 @!p1 $0x300;
	s2 =	sadd.s32 @!p1 $0x60, s6  }
0x98: {  	[tilespmem:s7], [sflag:$0x7] =	stream.linear.gather @!p1 [hbm4b:s2+s20], $0x80, $0x38;
	[tilespmem:$0x157C0] =	vst v63  }
0x99: {  	s2 =	simm.s32 @!p1 $0x1  }
0x9a: {  	_ =	swait.ge @!p1 [sflag:s2], $0x80  }
0x9b: {  	[sflag:s2] =	ssyncset.done @!p1 $0x0  }
0x9c: {  	[sflag:s2] =	ssyncadd.s32 @!p1 $0xFFFFFF80;
	s2 =	simm.s32 @!p1 $0x6  }
0x9d: {  	_ =	swait.ge @!p1 [sflag:s2], $0x80  }
0x9e: {  	[sflag:s2] =	ssyncset.done @!p1 $0x0  }
0x9f: {  	[sflag:s2] =	ssyncadd.s32 @!p1 $0xFFFFFF80;
	s2 =	simm.s32 @!p1 $0x15  }
0xa0: {  	_ =	swait.ge @!p1 [sflag:s2], $0x4000  }
0xa1: {  	[sflag:s2] =	ssyncset.done @!p1 $0x0  }
0xa2: {  	[sflag:s2] =	ssyncadd.s32 @!p1 $0xFFFFC000;
	s2 =	simm.s32 @!p1 $0x500  }
0xa3: {  	[tilespmem:s2], [sflag:$0xB] =	stream.indirect.gather @!p1 [hbm4b:s0+s22], $0x80, s20, s22, $0xb8;
	[tilespmem:$0x157C0] =	vst v63  }
0xa4: {  	_ =	swait.ge [sflag:s8], $0x4000  }
0xa5: {  	[sflag:s8] =	ssyncset.done $0x0  }
0xa6: {  	s11 =	simm.s32 $0x400;
	[sflag:s8] =	ssyncadd.s32 $0xFFFFC000  }
0xa7: {  	[tilespmem:s13], [sflag:$0x13] =	stream.indirect.gather.add.f32 [spmem:s3], $0x80, s11, s25, $0xb8;
	[tilespmem:$0x157C0] =	vst v63  }
0xa8: {  	_ =	swait.ge [sflag:s23], $0x4000  }
0xa9: {  	[sflag:s23] =	ssyncset.done $0x0  }
0xaa: {  	s7 =	sadd.s32 $0x1000, s21;
	[sflag:s23] =	ssyncadd.s32 $0xFFFFC000  }
0xab: {  	[hbm4b:s7+s4] =	stream.linear.scatter [tilespmem:s12], [sflag:$0x17], $0x4000, $0x38;
	[tilespmem:$0x157C0] =	vst v63  }
0xac: {  	s1 =	sadd.s32 @!p1 $0x70, s1;
	s7 =	simm.s32 @!p1 $0x100  }
0xad: {  	[tilespmem:s7], [sflag:$0x3] =	stream.linear.gather @!p1 [hbm4b:s1+s20], $0x80, $0x38;
	[tilespmem:$0x157C0] =	vst v63  }
0xae: {  	s1 =	sadd.s32 @!p1 $0x70, s6;
	s6 =	simm.s32 @!p1 $0x380  }
0xaf: {  	[tilespmem:s6], [sflag:$0x8] =	stream.linear.gather @!p1 [hbm4b:s1+s20], $0x80, $0x38;
	[tilespmem:$0x157C0] =	vst v63  }
0xb0: {  	s1 =	simm.s32 @!p1 $0x2  }
0xb1: {  	_ =	swait.ge @!p1 [sflag:s1], $0x80  }
0xb2: {  	[sflag:s1] =	ssyncset.done @!p1 $0x0  }
0xb3: {  	[sflag:s1] =	ssyncadd.s32 @!p1 $0xFFFFFF80;
	s1 =	simm.s32 @!p1 $0x7  }
0xb4: {  	_ =	swait.ge @!p1 [sflag:s1], $0x80  }
0xb5: {  	[sflag:s1] =	ssyncset.done @!p1 $0x0  }
0xb6: {  	[sflag:s1] =	ssyncadd.s32 @!p1 $0xFFFFFF80;
	s1 =	simm.s32 @!p1 $0x16  }
0xb7: {  	_ =	swait.ge @!p1 [sflag:s1], $0x4000  }
0xb8: {  	[sflag:s1] =	ssyncset.done @!p1 $0x0  }
0xb9: {  	[sflag:s1] =	ssyncadd.s32 @!p1 $0xFFFFC000;
	s1 =	simm.s32 @!p1 $0x4500  }
0xba: {  	[tilespmem:s1], [sflag:$0xC] =	stream.indirect.gather @!p1 [hbm4b:s0+s22], $0x80, s22, s22, $0xb8;
	[tilespmem:$0x157C0] =	vst v63  }
0xbb: {  	_ =	swait.ge [sflag:s26], $0x4000  }
0xbc: {  	[sflag:s26] =	ssyncset.done $0x0  }
0xbd: {  	s6 =	simm.s32 $0x480;
	[sflag:s26] =	ssyncadd.s32 $0xFFFFC000  }
0xbe: {  	[tilespmem:s16], [sflag:$0x14] =	stream.indirect.gather.add.f32 [spmem:s3], $0x80, s6, s25, $0xb8;
	[tilespmem:$0x157C0] =	vst v63  }
0xbf: {  	_ =	swait.ge [sflag:s29], $0x4000  }
0xc0: {  	[sflag:s29] =	ssyncset.done $0x0  }
0xc1: {  	s6 =	sadd.s32 $0x1800, s21;
	[sflag:s29] =	ssyncadd.s32 $0xFFFFC000  }
0xc2: {  	[hbm4b:s6+s4] =	stream.linear.scatter [tilespmem:s13], [sflag:$0x18], $0x4000, $0x38;
	[tilespmem:$0x157C0] =	vst v63  }
0xc3: {  	s1 =	sadd.s32 @!p1 s5, s17;
	s6 =	simm.s32 @!p1 $0x180  }
0xc4: {  	[tilespmem:s6], [sflag:$0x4] =	stream.linear.gather @!p1 [hbm4b:s1+s20], $0x80, $0x38;
	[tilespmem:$0x157C0] =	vst v63  }
0xc5: {  	s1 =	sadd.s32 @!p1 s5, s18;
	s6 =	simm.s32 @!p1 $0x400  }
0xc6: {  	[tilespmem:s6], [sflag:$0x9] =	stream.linear.gather @!p1 [hbm4b:s1+s20], $0x80, $0x38;
	[tilespmem:$0x157C0] =	vst v63  }
0xc7: {  	s1 =	simm.s32 @!p1 $0x3  }
0xc8: {  	_ =	swait.ge @!p1 [sflag:s1], $0x80  }
0xc9: {  	[sflag:s1] =	ssyncset.done @!p1 $0x0  }
0xca: {  	[sflag:s1] =	ssyncadd.s32 @!p1 $0xFFFFFF80;
	s1 =	simm.s32 @!p1 $0x8  }
0xcb: {  	_ =	swait.ge @!p1 [sflag:s1], $0x80  }
0xcc: {  	[sflag:s1] =	ssyncset.done @!p1 $0x0  }
0xcd: {  	[sflag:s1] =	ssyncadd.s32 @!p1 $0xFFFFFF80;
	s1 =	simm.s32 @!p1 $0x17  }
0xce: {  	_ =	swait.ge @!p1 [sflag:s1], $0x4000  }
0xcf: {  	[sflag:s1] =	ssyncset.done @!p1 $0x0  }
0xd0: {  	[sflag:s1] =	ssyncadd.s32 @!p1 $0xFFFFC000;
	s1 =	simm.s32 @!p1 $0x8500  }
0xd1: {  	[tilespmem:s1], [sflag:$0xD] =	stream.indirect.gather @!p1 [hbm4b:s0+s22], $0x80, s7, s22, $0xb8;
	[tilespmem:$0x157C0] =	vst v63  }
0xd2: {  	s1 =	simm.s32 @!p1 $0xB  }
0xd3: {  	_ =	swait.ge @!p1 [sflag:s1], $0x4000  }
0xd4: {  	[sflag:s1] =	ssyncset.done @!p1 $0x0  }
0xd5: {  	[sflag:s1] =	ssyncadd.s32 @!p1 $0xFFFFC000  }
0xd6: {  	[tilespmem:s2], [sflag:$0x10] =	stream.indirect.gather.add.f32 @!p1 [spmem:s3], $0x80, s19, s22, $0xb8;
	[tilespmem:$0x157C0] =	vst v63  }
.Ltmp2:
0xd7: {  	_ = 	snop;
	(pc) =	sbr.rel @p1 .LBB2_4-.Ltmp2, $4  }
0xd8: {  	_ =	swait.ge [sflag:s30], $0x4000  }
0xd9: {  	s9 =	simm.s32 $0x200;
	s10 =	simm.s32 $0x4500;
	[sflag:s30] =	ssyncset.done $0x0  }
0xda: {  	s11 =	simm.s32 $0x8500;
	s22 =	sadd.s32 $0x2000, s21;
	[sflag:s30] =	ssyncadd.s32 $0xFFFFC000  }
0xdb: {  	[hbm4b:s22+s4] =	stream.linear.scatter [tilespmem:s16], [sflag:$0x19], $0x4000, $0x38;
	[tilespmem:$0x157C0] =	vst v63  }
.Ltmp3:
0xdc: {  	s1 =	sadd.s32 s5, s17;
	s22 =	sadd.s32 s5, s18;
	(pc) =	sbr.rel .LBB2_2-.Ltmp3, $4  }
0xdd: {  	s2 =	simm.s32 $0x480;
	s5 =	sadd.s32 $0x50, s5;
	s1 =	sadd.s32 $0x10, s1  }
0xde: {  	[tilespmem:s9], [sflag:$0x5] =	stream.linear.gather [hbm4b:s1+s4], $0x80, $0x38;
	[tilespmem:$0x157C0] =	vst v63  }
0xdf: {  	s31 =	sadd.s32 $0x2800, s31;
	s21 =	simm.s32 $0x200;
	s1 =	sadd.s32 $0x10, s22  }
0xe0: {  	[tilespmem:s2], [sflag:$0xA] =	stream.linear.gather [hbm4b:s1+s4], $0x80, $0x38;
	[tilespmem:$0x157C0] =	vst v63  }
.LBB2_5:
0xe1: {  	_ =	sfence.sel $0x180000  }
0xe2: {  	[bflag:$0x0] =	sbarrier.arrive $0xFFFF  }
0xe3: {  	_ =	strace $0x90000047  }
0xe4: {  	[bflag:$0x2] =	sbarrier.arrive $0xFFFF  }
0xe5: {  	s0 =	rddreg [dreg:$0x6]  }
0xe6: {  	s0 =	sadd.s32 @!p0 $0x100000, s0  }
0xe7: {  	[sflag:s0] =	ssyncadd.tile.s32 @!p0 $0x1;
	_ =	shalt  }
.Lfunc_end2:
_tile_overlayer_lowered:
.L_overlay_start_2:
0xe8: {  	(tag) =	ssettag $0x2  }
0xe9: {  	s0 =	rddreg [dreg:$0x0];
	s2 =	stileid.u32  }
0xea: {  	s1 =	rddreg [dreg:$0x1];
	p0 =	sne.s32 s2, $0x0  }
0xeb: {  	s3 =	rddreg [dreg:$0x2];
	[bflag:$0x3] =	sbarrier.arrive $0xFFFF;
	s2 =	simm.s32 @!p0 $0x1C1A  }
0xec: {  	[timem:s3], [sflag:s2] =	dma.local @!p0 [hbm:s0], s1  }
0xed: {  	s0 =	simm.s32 @!p0 $0x1A  }
0xee: {  	_ =	swait.ge @!p0 [sflag:s0], s1  }
0xef: {  	s1 =	ssub.s32 @!p0 $0x0, s1;
	[sflag:s0] =	ssyncset.done @!p0 $0x0  }
0xf0: {  	[sflag:s0] =	ssyncadd.s32 @!p0 s1  }
0xf1: {  	[bflag:$0x3] =	sbarrier.arrive $0xFFFF  }
0xf2: {  	_ =	shalt  }

</sc_bundles>
